<compile_context>
chip_gen: v7x
topology: tpu7x:2x2x1
jax: 0.10.2.dev20260603
libtpu: 0.0.44.dev20260713+nightly
codegen_flags: <defaults>
</compile_context>

<pallas_src>
import functools

import jax
import jax.numpy as jnp
from jax import lax
from jax.experimental import pallas as pl
from jax.experimental.pallas import tpu as pltpu
from jax.experimental.pallas import tpu_sc as plsc

N_NODES = 100000
N_EDGES = 3200000

NC = 2
NS = 16
NW = NC * NS

C = 2000
CHUNKS = 50
EPW = C * CHUNKS

ACC = 100352
ACC_T = ACC // NS
G = C // 16

_MESH = plsc.VectorSubcoreMesh(
    core_axis_name="c", subcore_axis_name="s", num_cores=NC, num_subcores=NS
)

_EDGE_VMEM = (
    [pltpu.VMEM((C,), jnp.int32)] * 2
    + [pltpu.VMEM((C,), jnp.int32)] * 2
    + [pltpu.VMEM((C,), jnp.int32)] * 2
    + [pltpu.VMEM((C,), jnp.float32)] * 18
)


@functools.partial(
    pl.kernel,
    out_type=jax.ShapeDtypeStruct((NC * ACC,), jnp.float32),
    mesh=_MESH,
    scratch_types=_EDGE_VMEM
    + [
        pltpu.VMEM((ACC_T,), jnp.float32),
        pltpu.VMEM_SHARED((ACC,), jnp.float32),
        pltpu.VMEM_SHARED((ACC,), jnp.float32),
        pltpu.VMEM_SHARED((ACC,), jnp.float32),
        pltpu.VMEM_SHARED((ACC,), jnp.float32),
        pltpu.SemaphoreType.DMA,
        pltpu.SemaphoreType.DMA,
        pltpu.SemaphoreType.DMA,
    ],
)
def _bond_energy(idx0_hbm, idx1_hbm, len_hbm, par_hbm, x_hbm, y_hbm, z_hbm,
                 out_hbm,
                 idx0_a, idx0_b, idx1_a, idx1_b, sidx_a, sidx_b,
                 len_a, len_b, par_a, par_b,
                 ax_a, ax_b, ay_a, ay_b, az_a, az_b,
                 bx_a, bx_b, by_a, by_b, bz_a, bz_b, eb_a, eb_b,
                 zbuf, acc_sh, x_sh, y_sh, z_sh, sem_l, sem_g, sem_s):
    idx0 = (idx0_a, idx0_b)
    idx1 = (idx1_a, idx1_b)
    sidx = (sidx_a, sidx_b)
    ln = (len_a, len_b)
    pr = (par_a, par_b)
    ax = (ax_a, ax_b)
    ay = (ay_a, ay_b)
    az = (az_a, az_b)
    bx = (bx_a, bx_b)
    by = (by_a, by_b)
    bz = (bz_a, bz_b)
    eb = (eb_a, eb_b)

    cid = lax.axis_index("c")
    sid = lax.axis_index("s")
    wid = cid * NS + sid
    tslice = pl.ds(sid * ACC_T, ACC_T)

    def _zero(i, carry):
        zbuf[pl.ds(i * 16, 16)] = jnp.zeros((16,), jnp.float32)
        return carry

    lax.fori_loop(0, ACC_T // 16, _zero, 0)
    pltpu.sync_copy(zbuf, acc_sh.at[tslice])

    pltpu.sync_copy(x_hbm.at[tslice], zbuf)
    pltpu.sync_copy(zbuf, x_sh.at[tslice])
    pltpu.sync_copy(y_hbm.at[tslice], zbuf)
    pltpu.sync_copy(zbuf, y_sh.at[tslice])
    pltpu.sync_copy(z_hbm.at[tslice], zbuf)
    pltpu.sync_copy(zbuf, z_sh.at[tslice])
    plsc.subcore_barrier()

    base_w = wid * EPW

    def lin_parts(t, b):
        base = base_w + t * C
        sl = pl.ds(base, C)
        return (
            (idx0_hbm.at[sl], idx0[b]),
            (idx1_hbm.at[sl], idx1[b]),
            (len_hbm.at[sl], ln[b]),
            (par_hbm.at[sl], pr[b]),
        )

    def lin_issue(t, b):
        for src, dst in lin_parts(t, b):
            pltpu.async_copy(src, dst, sem_l)

    def lin_wait(t, b):
        for src, dst in lin_parts(t, b):
            pltpu.make_async_copy(src, dst, sem_l).wait()

    def gat_parts(b):
        return (
            (x_sh.at[idx0[b]], ax[b]),
            (y_sh.at[idx0[b]], ay[b]),
            (z_sh.at[idx0[b]], az[b]),
            (x_sh.at[idx1[b]], bx[b]),
            (y_sh.at[idx1[b]], by[b]),
            (z_sh.at[idx1[b]], bz[b]),
        )

    def gat_issue(b):
        for src, dst in gat_parts(b):
            pltpu.async_copy(src, dst, sem_g)

    def gat_wait(b):
        for src, dst in gat_parts(b):
            pltpu.make_async_copy(src, dst, sem_g).wait()

    def compute(b):
        def _group(g, gcarry):
            gs = pl.ds(g * 16, 16)
            dx = ax[b][gs] - bx[b][gs]
            dy = ay[b][gs] - by[b][gs]
            dz = az[b][gs] - bz[b][gs]
            d2 = dx * dx + dy * dy + dz * dz
            d2c = jnp.maximum(d2, jnp.float32(1e-30))
            bits = lax.bitcast_convert_type(d2c, jnp.int32)
            r = lax.bitcast_convert_type(
                jnp.int32(0x5F3759DF) - (bits >> 1), jnp.float32
            )
            r = r * (1.5 - 0.5 * d2c * r * r)
            r = r * (1.5 - 0.5 * d2c * r * r)
            r = r * (1.5 - 0.5 * d2c * r * r)
            e = d2 * r
            diff = e - ln[b][gs]
            eb[b][gs] = 0.5 * pr[b][gs] * diff * diff
            sidx[b][gs] = idx0[b][gs]
            return gcarry

        lax.fori_loop(0, G, _group, 0)

    def scat_issue(b):
        pltpu.async_copy(eb[b], acc_sh.at[sidx[b]], sem_s, add=True)

    def scat_wait(b):
        pltpu.make_async_copy(eb[b], acc_sh.at[sidx[b]], sem_s).wait()

    for src, dst in lin_parts(0, 0):
        pltpu.sync_copy(src, dst)
    gat_issue(0)
    lin_issue(1, 1)

    def _two(u, carry):
        t0 = 2 * u
        gat_wait(0)
        lin_wait(t0 + 1, 1)
        gat_issue(1)

        @pl.when(u > 0)
        def _():
            scat_wait(0)

        compute(0)
        scat_issue(0)

        @pl.when(u + 1 < CHUNKS // 2)
        def _():
            lin_issue(t0 + 2, 0)

        gat_wait(1)

        @pl.when(u + 1 < CHUNKS // 2)
        def _():
            lin_wait(t0 + 2, 0)
            gat_issue(0)

        @pl.when(u > 0)
        def _():
            scat_wait(1)

        compute(1)
        scat_issue(1)

        @pl.when(u + 1 < CHUNKS // 2)
        def _():
            lin_issue(t0 + 3, 1)

        return carry

    lax.fori_loop(0, CHUNKS // 2, _two, 0)
    scat_wait(0)
    scat_wait(1)
    plsc.subcore_barrier()

    pltpu.sync_copy(acc_sh.at[tslice], zbuf)
    pltpu.sync_copy(zbuf, out_hbm.at[pl.ds(cid * ACC + sid * ACC_T, ACC_T)])


HALF = ACC_T // 2


@functools.partial(
    pl.kernel,
    out_type=jax.ShapeDtypeStruct((ACC,), jnp.float32),
    mesh=_MESH,
    scratch_types=[
        pltpu.VMEM((HALF,), jnp.float32),
        pltpu.VMEM((HALF,), jnp.float32),
    ],
)
def _combine(p_hbm, out_hbm, a_v, b_v):
    cid = lax.axis_index("c")
    sid = lax.axis_index("s")
    off = sid * ACC_T + cid * HALF
    pltpu.sync_copy(p_hbm.at[pl.ds(off, HALF)], a_v)
    pltpu.sync_copy(p_hbm.at[pl.ds(ACC + off, HALF)], b_v)

    def _add(i, carry):
        a_v[pl.ds(i * 16, 16)] = a_v[pl.ds(i * 16, 16)] + b_v[pl.ds(i * 16, 16)]
        return carry

    lax.fori_loop(0, HALF // 16, _add, 0)
    pltpu.sync_copy(a_v, out_hbm.at[pl.ds(off, HALF)])


def kernel(xyz, bond_adj, bond_len, bond_par):
    idx0 = bond_adj[:, 0].astype(jnp.int32)
    idx1 = bond_adj[:, 1].astype(jnp.int32)
    ln = bond_len[:, 0]
    pr = bond_par[:, 0]
    npad = ACC - N_NODES
    znf = jnp.zeros((npad,), jnp.float32)
    xp = jnp.concatenate([xyz[:, 0], znf])
    yp = jnp.concatenate([xyz[:, 1], znf])
    zp = jnp.concatenate([xyz[:, 2], znf])
    partials = _bond_energy(idx0, idx1, ln, pr, xp, yp, zp)
    out = _combine(partials)
    return out[:N_NODES][:, None]

# --- scband reference (transcript-rebuilt; emitter-appended) ---
"""Pipeline reference for scband-bond-energy-module-49847390437978 (READ-ONLY COPY).

The authoritative reference and input builder live on the scoring server;
editing this copy changes nothing except your own understanding.
"""

import jax, jax.numpy as jnp
import numpy as np

N_NODES = 100000
N_EDGES = 3200000


def setup_inputs(seed: int = 0) -> dict:
    key = jax.random.key(seed)
    k1, k2, k3, k4 = jax.random.split(key, 4)
    xyz = jax.random.normal(k1, (N_NODES, 3), dtype=jnp.float32)
    bond_adj = jax.random.randint(k2, (N_EDGES, 2), 0, N_NODES, dtype=jnp.int64)
    bond_len = jax.random.uniform(k3, (N_EDGES, 1), dtype=jnp.float32)
    bond_par = jax.random.uniform(k4, (N_EDGES, 1), dtype=jnp.float32)
    return {"xyz": xyz, "bond_adj": bond_adj, "bond_len": bond_len, "bond_par": bond_par}


def reference(xyz, bond_adj, bond_len, bond_par):
    # batch=True branch
    src = jnp.take(xyz, bond_adj[:, 0], axis=0)
    dst = jnp.take(xyz, bond_adj[:, 1], axis=0)
    e = jnp.sqrt(jnp.sum((src - dst) ** 2, axis=1))[:, None]
    ebond = bond_par * (e - bond_len) ** 2
    out = 0.5 * jax.ops.segment_sum(ebond, bond_adj[:, 0], num_segments=xyz.shape[0])
    return out

if __name__ == "__main__":
    import jax
    _d = setup_inputs()
    print(jax.jit(kernel)(*tuple(_d.values())))

</pallas_src>

<mosaic_0001>
#map = affine_map<(d0, d1) -> (0)>
module attributes {stable_mosaic.version = 14 : i64} {
  func.func @_combine(%arg0: i32, %arg1: i32, %arg2: memref<200704xf32, #tpu.memory_space<hbm>>, %arg3: memref<100352xf32, #tpu.memory_space<hbm>>, %arg4: memref<3136xf32, #tpu.memory_space<vmem>>, %arg5: memref<3136xf32, #tpu.memory_space<vmem>>) attributes {dimension_semantics = [#tpu.dimension_semantics<core_parallel>, #tpu.dimension_semantics<subcore_parallel>], iteration_bounds = array<i64: 2, 16>, scalar_prefetch = 0 : i64, scratch_operands = 2 : i64, tpu.core_type = #tpu.core_type<sc_vector_subcore>, window_params = [{transform_indices = #map}, {transform_indices = #map}]} {
    %mul3A = arith.constant 6272 : i32
    %mul3A_0 = arith.muli %arg1, %mul3A : i32
    %mul3A_1 = arith.constant 3136 : i32
    %mul3A_2 = arith.muli %arg0, %mul3A_1 : i32
    %add3A = arith.addi %mul3A_0, %mul3A_2 : i32
    "tpu.region"() ({
      %run_scoped3A = tpu.sem_alloc : memref<!tpu.dma_semaphore, #tpu.memory_space<semaphore_mem>>
      %dma_start3A = tpu.memref_slice %arg2[%add3A] : memref<200704xf32, #tpu.memory_space<hbm>> -> memref<3136xf32, #tpu.memory_space<hbm>>
      %dma_start3A_10 = tpu.memref_slice %arg2[%add3A] : memref<200704xf32, #tpu.memory_space<hbm>> -> memref<3136xf32, #tpu.memory_space<hbm>>
      tpu.enqueue_dma source(%dma_start3A_10 : memref<3136xf32, #tpu.memory_space<hbm>>) target(%arg4 : memref<3136xf32, #tpu.memory_space<vmem>>) target_semaphore(%run_scoped3A : memref<!tpu.dma_semaphore, #tpu.memory_space<semaphore_mem>>)
      %dma_wait3A = tpu.memref_slice %arg2[%add3A] : memref<200704xf32, #tpu.memory_space<hbm>> -> memref<3136xf32, #tpu.memory_space<hbm>>
      %dma_wait3A_11 = tpu.memref_slice %arg2[%add3A] : memref<200704xf32, #tpu.memory_space<hbm>> -> memref<3136xf32, #tpu.memory_space<hbm>>
      tpu.wait_dma2 semaphore(%run_scoped3A : memref<!tpu.dma_semaphore, #tpu.memory_space<semaphore_mem>>) src(%dma_wait3A_11 : memref<3136xf32, #tpu.memory_space<hbm>>) dst(%arg4 : memref<3136xf32, #tpu.memory_space<vmem>>)
      tpu.yield
    }) : () -> ()
    %add3A_3 = arith.constant 100352 : i32
    %add3A_4 = arith.addi %add3A_3, %add3A : i32
    "tpu.region"() ({
      %run_scoped3A = tpu.sem_alloc : memref<!tpu.dma_semaphore, #tpu.memory_space<semaphore_mem>>
      %dma_start3A = tpu.memref_slice %arg2[%add3A_4] : memref<200704xf32, #tpu.memory_space<hbm>> -> memref<3136xf32, #tpu.memory_space<hbm>>
      %dma_start3A_10 = tpu.memref_slice %arg2[%add3A_4] : memref<200704xf32, #tpu.memory_space<hbm>> -> memref<3136xf32, #tpu.memory_space<hbm>>
      tpu.enqueue_dma source(%dma_start3A_10 : memref<3136xf32, #tpu.memory_space<hbm>>) target(%arg5 : memref<3136xf32, #tpu.memory_space<vmem>>) target_semaphore(%run_scoped3A : memref<!tpu.dma_semaphore, #tpu.memory_space<semaphore_mem>>)
      %dma_wait3A = tpu.memref_slice %arg2[%add3A_4] : memref<200704xf32, #tpu.memory_space<hbm>> -> memref<3136xf32, #tpu.memory_space<hbm>>
      %dma_wait3A_11 = tpu.memref_slice %arg2[%add3A_4] : memref<200704xf32, #tpu.memory_space<hbm>> -> memref<3136xf32, #tpu.memory_space<hbm>>
      tpu.wait_dma2 semaphore(%run_scoped3A : memref<!tpu.dma_semaphore, #tpu.memory_space<semaphore_mem>>) src(%dma_wait3A_11 : memref<3136xf32, #tpu.memory_space<hbm>>) dst(%arg5 : memref<3136xf32, #tpu.memory_space<vmem>>)
      tpu.yield
    }) : () -> ()
    %scan3A = arith.constant 0 : i32
    %scan3A_5 = arith.constant 0 : i32
    %scan3A_6 = arith.constant 196 : i32
    %scan3A_7 = arith.addi %scan3A_5, %scan3A_6 : i32
    %scan3A_8 = arith.constant 1 : i32
    scf.for %scan3A_10 = %scan3A_5 to %scan3A_7 step %scan3A_8  : i32 {
      %mul3A_11 = arith.constant 16 : i32
      %mul3A_12 = arith.muli %scan3A_10, %mul3A_11 : i32
      %get3A = arith.index_cast %mul3A_12 : i32 to index
      %get3A_13 = tpu.vector_load %arg4[%get3A] {strides = array<i32>} : memref<3136xf32, #tpu.memory_space<vmem>>, vector<16xf32>,
      %get3A_14 = vector.shape_cast %get3A_13 : vector<16xf32> to vector<16xf32>
      %mul3A_15 = arith.constant 16 : i32
      %mul3A_16 = arith.muli %scan3A_10, %mul3A_15 : i32
      %get3A_17 = arith.index_cast %mul3A_16 : i32 to index
      %get3A_18 = tpu.vector_load %arg5[%get3A_17] {strides = array<i32>} : memref<3136xf32, #tpu.memory_space<vmem>>, vector<16xf32>,
      %get3A_19 = vector.shape_cast %get3A_18 : vector<16xf32> to vector<16xf32>
      %add3A_20 = arith.addf %get3A_14, %get3A_19 : vector<16xf32>
      %mul3A_21 = arith.constant 16 : i32
      %mul3A_22 = arith.muli %scan3A_10, %mul3A_21 : i32
      %swap3A = arith.index_cast %mul3A_22 : i32 to index
      %swap3A_23 = tpu.vector_load %arg4[%swap3A] {strides = array<i32>} : memref<3136xf32, #tpu.memory_space<vmem>>, vector<16xf32>,
      %swap3A_24 = vector.shape_cast %swap3A_23 : vector<16xf32> to vector<16xf32>
      %swap3A_25 = vector.shape_cast %add3A_20 : vector<16xf32> to vector<16xf32>
      tpu.vector_store %arg4[%swap3A], %swap3A_25 {strides = array<i32>} : memref<3136xf32, #tpu.memory_space<vmem>>, vector<16xf32>,
    }
    %scan3A_9 = arith.constant 196 : i32
    "tpu.region"() ({
      %run_scoped3A = tpu.sem_alloc : memref<!tpu.dma_semaphore, #tpu.memory_space<semaphore_mem>>
      %dma_start3A = tpu.memref_slice %arg3[%add3A] : memref<100352xf32, #tpu.memory_space<hbm>> -> memref<3136xf32, #tpu.memory_space<hbm>>
      %dma_start3A_10 = tpu.memref_slice %arg3[%add3A] : memref<100352xf32, #tpu.memory_space<hbm>> -> memref<3136xf32, #tpu.memory_space<hbm>>
      tpu.enqueue_dma source(%arg4 : memref<3136xf32, #tpu.memory_space<vmem>>) target(%dma_start3A_10 : memref<3136xf32, #tpu.memory_space<hbm>>) target_semaphore(%run_scoped3A : memref<!tpu.dma_semaphore, #tpu.memory_space<semaphore_mem>>)
      %dma_wait3A = tpu.memref_slice %arg3[%add3A] : memref<100352xf32, #tpu.memory_space<hbm>> -> memref<3136xf32, #tpu.memory_space<hbm>>
      %dma_wait3A_11 = tpu.memref_slice %arg3[%add3A] : memref<100352xf32, #tpu.memory_space<hbm>> -> memref<3136xf32, #tpu.memory_space<hbm>>
      tpu.wait_dma2 semaphore(%run_scoped3A : memref<!tpu.dma_semaphore, #tpu.memory_space<semaphore_mem>>) src(%arg4 : memref<3136xf32, #tpu.memory_space<vmem>>) dst(%dma_wait3A_11 : memref<3136xf32, #tpu.memory_space<hbm>>)
      tpu.yield
    }) : () -> ()
    return
  }
}

#map = affine_map<(d0, d1) -> (0)>
module attributes {stable_mosaic.version = 14 : i64} {
  func.func @_bond_energy(%arg0: i32, %arg1: i32, %arg2: memref<3200000xi32, #tpu.memory_space<hbm>>, %arg3: memref<3200000xi32, #tpu.memory_space<hbm>>, %arg4: memref<3200000xf32, #tpu.memory_space<hbm>>, %arg5: memref<3200000xf32, #tpu.memory_space<hbm>>, %arg6: memref<100352xf32, #tpu.memory_space<hbm>>, %arg7: memref<100352xf32, #tpu.memory_space<hbm>>, %arg8: memref<100352xf32, #tpu.memory_space<hbm>>, %arg9: memref<200704xf32, #tpu.memory_space<hbm>>, %arg10: memref<2000xi32, #tpu.memory_space<vmem>>, %arg11: memref<2000xi32, #tpu.memory_space<vmem>>, %arg12: memref<2000xi32, #tpu.memory_space<vmem>>, %arg13: memref<2000xi32, #tpu.memory_space<vmem>>, %arg14: memref<2000xi32, #tpu.memory_space<vmem>>, %arg15: memref<2000xi32, #tpu.memory_space<vmem>>, %arg16: memref<2000xf32, #tpu.memory_space<vmem>>, %arg17: memref<2000xf32, #tpu.memory_space<vmem>>, %arg18: memref<2000xf32, #tpu.memory_space<vmem>>, %arg19: memref<2000xf32, #tpu.memory_space<vmem>>, %arg20: memref<2000xf32, #tpu.memory_space<vmem>>, %arg21: memref<2000xf32, #tpu.memory_space<vmem>>, %arg22: memref<2000xf32, #tpu.memory_space<vmem>>, %arg23: memref<2000xf32, #tpu.memory_space<vmem>>, %arg24: memref<2000xf32, #tpu.memory_space<vmem>>, %arg25: memref<2000xf32, #tpu.memory_space<vmem>>, %arg26: memref<2000xf32, #tpu.memory_space<vmem>>, %arg27: memref<2000xf32, #tpu.memory_space<vmem>>, %arg28: memref<2000xf32, #tpu.memory_space<vmem>>, %arg29: memref<2000xf32, #tpu.memory_space<vmem>>, %arg30: memref<2000xf32, #tpu.memory_space<vmem>>, %arg31: memref<2000xf32, #tpu.memory_space<vmem>>, %arg32: memref<2000xf32, #tpu.memory_space<vmem>>, %arg33: memref<2000xf32, #tpu.memory_space<vmem>>, %arg34: memref<6272xf32, #tpu.memory_space<vmem>>, %arg35: memref<100352xf32, #tpu.memory_space<vmem_shared>>, %arg36: memref<100352xf32, #tpu.memory_space<vmem_shared>>, %arg37: memref<100352xf32, #tpu.memory_space<vmem_shared>>, %arg38: memref<100352xf32, #tpu.memory_space<vmem_shared>>, %arg39: memref<!tpu.dma_semaphore, #tpu.memory_space<semaphore_mem>>, %arg40: memref<!tpu.dma_semaphore, #tpu.memory_space<semaphore_mem>>, %arg41: memref<!tpu.dma_semaphore, #tpu.memory_space<semaphore_mem>>) attributes {dimension_semantics = [#tpu.dimension_semantics<core_parallel>, #tpu.dimension_semantics<subcore_parallel>], iteration_bounds = array<i64: 2, 16>, scalar_prefetch = 0 : i64, scratch_operands = 32 : i64, tpu.core_type = #tpu.core_type<sc_vector_subcore>, window_params = [{transform_indices = #map}, {transform_indices = #map}, {transform_indices = #map}, {transform_indices = #map}, {transform_indices = #map}, {transform_indices = #map}, {transform_indices = #map}, {transform_indices = #map}]} {
    %mul3A = arith.constant 16 : i32
    %mul3A_0 = arith.muli %arg0, %mul3A : i32
    %add3A = arith.addi %mul3A_0, %arg1 : i32
    %mul3A_1 = arith.constant 6272 : i32
    %mul3A_2 = arith.muli %arg1, %mul3A_1 : i32
    %scan3A = arith.constant 0 : i32
    %scan3A_3 = arith.constant 0 : i32
    %scan3A_4 = arith.constant 392 : i32
    %scan3A_5 = arith.addi %scan3A_3, %scan3A_4 : i32
    %scan3A_6 = arith.constant 1 : i32
    scf.for %scan3A_48 = %scan3A_3 to %scan3A_5 step %scan3A_6  : i32 {
      %broadcast_in_dim3A = arith.constant 0.000000e+00 : f32
      %broadcast_in_dim3A_49 = vector.broadcast %broadcast_in_dim3A : f32 to vector<16xf32>
      %mul3A_50 = arith.constant 16 : i32
      %mul3A_51 = arith.muli %scan3A_48, %mul3A_50 : i32
      %swap3A = arith.index_cast %mul3A_51 : i32 to index
      %swap3A_52 = tpu.vector_load %arg34[%swap3A] {strides = array<i32>} : memref<6272xf32, #tpu.memory_space<vmem>>, vector<16xf32>,
      %swap3A_53 = vector.shape_cast %swap3A_52 : vector<16xf32> to vector<16xf32>
      %swap3A_54 = vector.shape_cast %broadcast_in_dim3A_49 : vector<16xf32> to vector<16xf32>
      tpu.vector_store %arg34[%swap3A], %swap3A_54 {strides = array<i32>} : memref<6272xf32, #tpu.memory_space<vmem>>, vector<16xf32>,
    }
    %scan3A_7 = arith.constant 392 : i32
    "tpu.region"() ({
      %run_scoped3A = tpu.sem_alloc : memref<!tpu.dma_semaphore, #tpu.memory_space<semaphore_mem>>
      %dma_start3A_48 = tpu.memref_slice %arg35[%mul3A_2] : memref<100352xf32, #tpu.memory_space<vmem_shared>> -> memref<6272xf32, #tpu.memory_space<vmem_shared>>
      %dma_start3A_49 = tpu.memref_slice %arg35[%mul3A_2] : memref<100352xf32, #tpu.memory_space<vmem_shared>> -> memref<6272xf32, #tpu.memory_space<vmem_shared>>
      tpu.enqueue_dma source(%arg34 : memref<6272xf32, #tpu.memory_space<vmem>>) target(%dma_start3A_49 : memref<6272xf32, #tpu.memory_space<vmem_shared>>) target_semaphore(%run_scoped3A : memref<!tpu.dma_semaphore, #tpu.memory_space<semaphore_mem>>)
      %dma_wait3A_50 = tpu.memref_slice %arg35[%mul3A_2] : memref<100352xf32, #tpu.memory_space<vmem_shared>> -> memref<6272xf32, #tpu.memory_space<vmem_shared>>
      %dma_wait3A_51 = tpu.memref_slice %arg35[%mul3A_2] : memref<100352xf32, #tpu.memory_space<vmem_shared>> -> memref<6272xf32, #tpu.memory_space<vmem_shared>>
      tpu.wait_dma2 semaphore(%run_scoped3A : memref<!tpu.dma_semaphore, #tpu.memory_space<semaphore_mem>>) src(%arg34 : memref<6272xf32, #tpu.memory_space<vmem>>) dst(%dma_wait3A_51 : memref<6272xf32, #tpu.memory_space<vmem_shared>>)
      tpu.yield
    }) : () -> ()
    "tpu.region"() ({
      %run_scoped3A = tpu.sem_alloc : memref<!tpu.dma_semaphore, #tpu.memory_space<semaphore_mem>>
      %dma_start3A_48 = tpu.memref_slice %arg6[%mul3A_2] : memref<100352xf32, #tpu.memory_space<hbm>> -> memref<6272xf32, #tpu.memory_space<hbm>>
      %dma_start3A_49 = tpu.memref_slice %arg6[%mul3A_2] : memref<100352xf32, #tpu.memory_space<hbm>> -> memref<6272xf32, #tpu.memory_space<hbm>>
      tpu.enqueue_dma source(%dma_start3A_49 : memref<6272xf32, #tpu.memory_space<hbm>>) target(%arg34 : memref<6272xf32, #tpu.memory_space<vmem>>) target_semaphore(%run_scoped3A : memref<!tpu.dma_semaphore, #tpu.memory_space<semaphore_mem>>)
      %dma_wait3A_50 = tpu.memref_slice %arg6[%mul3A_2] : memref<100352xf32, #tpu.memory_space<hbm>> -> memref<6272xf32, #tpu.memory_space<hbm>>
      %dma_wait3A_51 = tpu.memref_slice %arg6[%mul3A_2] : memref<100352xf32, #tpu.memory_space<hbm>> -> memref<6272xf32, #tpu.memory_space<hbm>>
      tpu.wait_dma2 semaphore(%run_scoped3A : memref<!tpu.dma_semaphore, #tpu.memory_space<semaphore_mem>>) src(%dma_wait3A_51 : memref<6272xf32, #tpu.memory_space<hbm>>) dst(%arg34 : memref<6272xf32, #tpu.memory_space<vmem>>)
      tpu.yield
    }) : () -> ()
    "tpu.region"() ({
      %run_scoped3A = tpu.sem_alloc : memref<!tpu.dma_semaphore, #tpu.memory_space<semaphore_mem>>
      %dma_start3A_48 = tpu.memref_slice %arg36[%mul3A_2] : memref<100352xf32, #tpu.memory_space<vmem_shared>> -> memref<6272xf32, #tpu.memory_space<vmem_shared>>
      %dma_start3A_49 = tpu.memref_slice %arg36[%mul3A_2] : memref<100352xf32, #tpu.memory_space<vmem_shared>> -> memref<6272xf32, #tpu.memory_space<vmem_shared>>
      tpu.enqueue_dma source(%arg34 : memref<6272xf32, #tpu.memory_space<vmem>>) target(%dma_start3A_49 : memref<6272xf32, #tpu.memory_space<vmem_shared>>) target_semaphore(%run_scoped3A : memref<!tpu.dma_semaphore, #tpu.memory_space<semaphore_mem>>)
      %dma_wait3A_50 = tpu.memref_slice %arg36[%mul3A_2] : memref<100352xf32, #tpu.memory_space<vmem_shared>> -> memref<6272xf32, #tpu.memory_space<vmem_shared>>
      %dma_wait3A_51 = tpu.memref_slice %arg36[%mul3A_2] : memref<100352xf32, #tpu.memory_space<vmem_shared>> -> memref<6272xf32, #tpu.memory_space<vmem_shared>>
      tpu.wait_dma2 semaphore(%run_scoped3A : memref<!tpu.dma_semaphore, #tpu.memory_space<semaphore_mem>>) src(%arg34 : memref<6272xf32, #tpu.memory_space<vmem>>) dst(%dma_wait3A_51 : memref<6272xf32, #tpu.memory_space<vmem_shared>>)
      tpu.yield
    }) : () -> ()
    "tpu.region"() ({
      %run_scoped3A = tpu.sem_alloc : memref<!tpu.dma_semaphore, #tpu.memory_space<semaphore_mem>>
      %dma_start3A_48 = tpu.memref_slice %arg7[%mul3A_2] : memref<100352xf32, #tpu.memory_space<hbm>> -> memref<6272xf32, #tpu.memory_space<hbm>>
      %dma_start3A_49 = tpu.memref_slice %arg7[%mul3A_2] : memref<100352xf32, #tpu.memory_space<hbm>> -> memref<6272xf32, #tpu.memory_space<hbm>>
      tpu.enqueue_dma source(%dma_start3A_49 : memref<6272xf32, #tpu.memory_space<hbm>>) target(%arg34 : memref<6272xf32, #tpu.memory_space<vmem>>) target_semaphore(%run_scoped3A : memref<!tpu.dma_semaphore, #tpu.memory_space<semaphore_mem>>)
      %dma_wait3A_50 = tpu.memref_slice %arg7[%mul3A_2] : memref<100352xf32, #tpu.memory_space<hbm>> -> memref<6272xf32, #tpu.memory_space<hbm>>
      %dma_wait3A_51 = tpu.memref_slice %arg7[%mul3A_2] : memref<100352xf32, #tpu.memory_space<hbm>> -> memref<6272xf32, #tpu.memory_space<hbm>>
      tpu.wait_dma2 semaphore(%run_scoped3A : memref<!tpu.dma_semaphore, #tpu.memory_space<semaphore_mem>>) src(%dma_wait3A_51 : memref<6272xf32, #tpu.memory_space<hbm>>) dst(%arg34 : memref<6272xf32, #tpu.memory_space<vmem>>)
      tpu.yield
    }) : () -> ()
    "tpu.region"() ({
      %run_scoped3A = tpu.sem_alloc : memref<!tpu.dma_semaphore, #tpu.memory_space<semaphore_mem>>
      %dma_start3A_48 = tpu.memref_slice %arg37[%mul3A_2] : memref<100352xf32, #tpu.memory_space<vmem_shared>> -> memref<6272xf32, #tpu.memory_space<vmem_shared>>
      %dma_start3A_49 = tpu.memref_slice %arg37[%mul3A_2] : memref<100352xf32, #tpu.memory_space<vmem_shared>> -> memref<6272xf32, #tpu.memory_space<vmem_shared>>
      tpu.enqueue_dma source(%arg34 : memref<6272xf32, #tpu.memory_space<vmem>>) target(%dma_start3A_49 : memref<6272xf32, #tpu.memory_space<vmem_shared>>) target_semaphore(%run_scoped3A : memref<!tpu.dma_semaphore, #tpu.memory_space<semaphore_mem>>)
      %dma_wait3A_50 = tpu.memref_slice %arg37[%mul3A_2] : memref<100352xf32, #tpu.memory_space<vmem_shared>> -> memref<6272xf32, #tpu.memory_space<vmem_shared>>
      %dma_wait3A_51 = tpu.memref_slice %arg37[%mul3A_2] : memref<100352xf32, #tpu.memory_space<vmem_shared>> -> memref<6272xf32, #tpu.memory_space<vmem_shared>>
      tpu.wait_dma2 semaphore(%run_scoped3A : memref<!tpu.dma_semaphore, #tpu.memory_space<semaphore_mem>>) src(%arg34 : memref<6272xf32, #tpu.memory_space<vmem>>) dst(%dma_wait3A_51 : memref<6272xf32, #tpu.memory_space<vmem_shared>>)
      tpu.yield
    }) : () -> ()
    "tpu.region"() ({
      %run_scoped3A = tpu.sem_alloc : memref<!tpu.dma_semaphore, #tpu.memory_space<semaphore_mem>>
      %dma_start3A_48 = tpu.memref_slice %arg8[%mul3A_2] : memref<100352xf32, #tpu.memory_space<hbm>> -> memref<6272xf32, #tpu.memory_space<hbm>>
      %dma_start3A_49 = tpu.memref_slice %arg8[%mul3A_2] : memref<100352xf32, #tpu.memory_space<hbm>> -> memref<6272xf32, #tpu.memory_space<hbm>>
      tpu.enqueue_dma source(%dma_start3A_49 : memref<6272xf32, #tpu.memory_space<hbm>>) target(%arg34 : memref<6272xf32, #tpu.memory_space<vmem>>) target_semaphore(%run_scoped3A : memref<!tpu.dma_semaphore, #tpu.memory_space<semaphore_mem>>)
      %dma_wait3A_50 = tpu.memref_slice %arg8[%mul3A_2] : memref<100352xf32, #tpu.memory_space<hbm>> -> memref<6272xf32, #tpu.memory_space<hbm>>
      %dma_wait3A_51 = tpu.memref_slice %arg8[%mul3A_2] : memref<100352xf32, #tpu.memory_space<hbm>> -> memref<6272xf32, #tpu.memory_space<hbm>>
      tpu.wait_dma2 semaphore(%run_scoped3A : memref<!tpu.dma_semaphore, #tpu.memory_space<semaphore_mem>>) src(%dma_wait3A_51 : memref<6272xf32, #tpu.memory_space<hbm>>) dst(%arg34 : memref<6272xf32, #tpu.memory_space<vmem>>)
      tpu.yield
    }) : () -> ()
    "tpu.region"() ({
      %run_scoped3A = tpu.sem_alloc : memref<!tpu.dma_semaphore, #tpu.memory_space<semaphore_mem>>
      %dma_start3A_48 = tpu.memref_slice %arg38[%mul3A_2] : memref<100352xf32, #tpu.memory_space<vmem_shared>> -> memref<6272xf32, #tpu.memory_space<vmem_shared>>
      %dma_start3A_49 = tpu.memref_slice %arg38[%mul3A_2] : memref<100352xf32, #tpu.memory_space<vmem_shared>> -> memref<6272xf32, #tpu.memory_space<vmem_shared>>
      tpu.enqueue_dma source(%arg34 : memref<6272xf32, #tpu.memory_space<vmem>>) target(%dma_start3A_49 : memref<6272xf32, #tpu.memory_space<vmem_shared>>) target_semaphore(%run_scoped3A : memref<!tpu.dma_semaphore, #tpu.memory_space<semaphore_mem>>)
      %dma_wait3A_50 = tpu.memref_slice %arg38[%mul3A_2] : memref<100352xf32, #tpu.memory_space<vmem_shared>> -> memref<6272xf32, #tpu.memory_space<vmem_shared>>
      %dma_wait3A_51 = tpu.memref_slice %arg38[%mul3A_2] : memref<100352xf32, #tpu.memory_space<vmem_shared>> -> memref<6272xf32, #tpu.memory_space<vmem_shared>>
      tpu.wait_dma2 semaphore(%run_scoped3A : memref<!tpu.dma_semaphore, #tpu.memory_space<semaphore_mem>>) src(%arg34 : memref<6272xf32, #tpu.memory_space<vmem>>) dst(%dma_wait3A_51 : memref<6272xf32, #tpu.memory_space<vmem_shared>>)
      tpu.yield
    }) : () -> ()
    %barrier3A = arith.constant 0 : index
    tpu.barrier barrier_id(%barrier3A)
    %mul3A_8 = arith.constant 100000 : i32
    %mul3A_9 = arith.muli %add3A, %mul3A_8 : i32
    %add3A_10 = arith.constant 0 : i32
    %add3A_11 = arith.addi %mul3A_9, %add3A_10 : i32
    "tpu.region"() ({
      %run_scoped3A = tpu.sem_alloc : memref<!tpu.dma_semaphore, #tpu.memory_space<semaphore_mem>>
      %dma_start3A_48 = tpu.memref_slice %arg2[%add3A_11] : memref<3200000xi32, #tpu.memory_space<hbm>> -> memref<2000xi32, #tpu.memory_space<hbm>>
      %dma_start3A_49 = tpu.memref_slice %arg2[%add3A_11] : memref<3200000xi32, #tpu.memory_space<hbm>> -> memref<2000xi32, #tpu.memory_space<hbm>>
      tpu.enqueue_dma source(%dma_start3A_49 : memref<2000xi32, #tpu.memory_space<hbm>>) target(%arg10 : memref<2000xi32, #tpu.memory_space<vmem>>) target_semaphore(%run_scoped3A : memref<!tpu.dma_semaphore, #tpu.memory_space<semaphore_mem>>)
      %dma_wait3A_50 = tpu.memref_slice %arg2[%add3A_11] : memref<3200000xi32, #tpu.memory_space<hbm>> -> memref<2000xi32, #tpu.memory_space<hbm>>
      %dma_wait3A_51 = tpu.memref_slice %arg2[%add3A_11] : memref<3200000xi32, #tpu.memory_space<hbm>> -> memref<2000xi32, #tpu.memory_space<hbm>>
      tpu.wait_dma2 semaphore(%run_scoped3A : memref<!tpu.dma_semaphore, #tpu.memory_space<semaphore_mem>>) src(%dma_wait3A_51 : memref<2000xi32, #tpu.memory_space<hbm>>) dst(%arg10 : memref<2000xi32, #tpu.memory_space<vmem>>)
      tpu.yield
    }) : () -> ()
    "tpu.region"() ({
      %run_scoped3A = tpu.sem_alloc : memref<!tpu.dma_semaphore, #tpu.memory_space<semaphore_mem>>
      %dma_start3A_48 = tpu.memref_slice %arg3[%add3A_11] : memref<3200000xi32, #tpu.memory_space<hbm>> -> memref<2000xi32, #tpu.memory_space<hbm>>
      %dma_start3A_49 = tpu.memref_slice %arg3[%add3A_11] : memref<3200000xi32, #tpu.memory_space<hbm>> -> memref<2000xi32, #tpu.memory_space<hbm>>
      tpu.enqueue_dma source(%dma_start3A_49 : memref<2000xi32, #tpu.memory_space<hbm>>) target(%arg12 : memref<2000xi32, #tpu.memory_space<vmem>>) target_semaphore(%run_scoped3A : memref<!tpu.dma_semaphore, #tpu.memory_space<semaphore_mem>>)
      %dma_wait3A_50 = tpu.memref_slice %arg3[%add3A_11] : memref<3200000xi32, #tpu.memory_space<hbm>> -> memref<2000xi32, #tpu.memory_space<hbm>>
      %dma_wait3A_51 = tpu.memref_slice %arg3[%add3A_11] : memref<3200000xi32, #tpu.memory_space<hbm>> -> memref<2000xi32, #tpu.memory_space<hbm>>
      tpu.wait_dma2 semaphore(%run_scoped3A : memref<!tpu.dma_semaphore, #tpu.memory_space<semaphore_mem>>) src(%dma_wait3A_51 : memref<2000xi32, #tpu.memory_space<hbm>>) dst(%arg12 : memref<2000xi32, #tpu.memory_space<vmem>>)
      tpu.yield
    }) : () -> ()
    "tpu.region"() ({
      %run_scoped3A = tpu.sem_alloc : memref<!tpu.dma_semaphore, #tpu.memory_space<semaphore_mem>>
      %dma_start3A_48 = tpu.memref_slice %arg4[%add3A_11] : memref<3200000xf32, #tpu.memory_space<hbm>> -> memref<2000xf32, #tpu.memory_space<hbm>>
      %dma_start3A_49 = tpu.memref_slice %arg4[%add3A_11] : memref<3200000xf32, #tpu.memory_space<hbm>> -> memref<2000xf32, #tpu.memory_space<hbm>>
      tpu.enqueue_dma source(%dma_start3A_49 : memref<2000xf32, #tpu.memory_space<hbm>>) target(%arg16 : memref<2000xf32, #tpu.memory_space<vmem>>) target_semaphore(%run_scoped3A : memref<!tpu.dma_semaphore, #tpu.memory_space<semaphore_mem>>)
      %dma_wait3A_50 = tpu.memref_slice %arg4[%add3A_11] : memref<3200000xf32, #tpu.memory_space<hbm>> -> memref<2000xf32, #tpu.memory_space<hbm>>
      %dma_wait3A_51 = tpu.memref_slice %arg4[%add3A_11] : memref<3200000xf32, #tpu.memory_space<hbm>> -> memref<2000xf32, #tpu.memory_space<hbm>>
      tpu.wait_dma2 semaphore(%run_scoped3A : memref<!tpu.dma_semaphore, #tpu.memory_space<semaphore_mem>>) src(%dma_wait3A_51 : memref<2000xf32, #tpu.memory_space<hbm>>) dst(%arg16 : memref<2000xf32, #tpu.memory_space<vmem>>)
      tpu.yield
    }) : () -> ()
    "tpu.region"() ({
      %run_scoped3A = tpu.sem_alloc : memref<!tpu.dma_semaphore, #tpu.memory_space<semaphore_mem>>
      %dma_start3A_48 = tpu.memref_slice %arg5[%add3A_11] : memref<3200000xf32, #tpu.memory_space<hbm>> -> memref<2000xf32, #tpu.memory_space<hbm>>
      %dma_start3A_49 = tpu.memref_slice %arg5[%add3A_11] : memref<3200000xf32, #tpu.memory_space<hbm>> -> memref<2000xf32, #tpu.memory_space<hbm>>
      tpu.enqueue_dma source(%dma_start3A_49 : memref<2000xf32, #tpu.memory_space<hbm>>) target(%arg18 : memref<2000xf32, #tpu.memory_space<vmem>>) target_semaphore(%run_scoped3A : memref<!tpu.dma_semaphore, #tpu.memory_space<semaphore_mem>>)
      %dma_wait3A_50 = tpu.memref_slice %arg5[%add3A_11] : memref<3200000xf32, #tpu.memory_space<hbm>> -> memref<2000xf32, #tpu.memory_space<hbm>>
      %dma_wait3A_51 = tpu.memref_slice %arg5[%add3A_11] : memref<3200000xf32, #tpu.memory_space<hbm>> -> memref<2000xf32, #tpu.memory_space<hbm>>
      tpu.wait_dma2 semaphore(%run_scoped3A : memref<!tpu.dma_semaphore, #tpu.memory_space<semaphore_mem>>) src(%dma_wait3A_51 : memref<2000xf32, #tpu.memory_space<hbm>>) dst(%arg18 : memref<2000xf32, #tpu.memory_space<vmem>>)
      tpu.yield
    }) : () -> ()
    %dma_start3A = arith.constant 0 : i32
    %dma_start3A_12 = tpu.memref_slice %arg36[%dma_start3A] : memref<100352xf32, #tpu.memory_space<vmem_shared>> -> memref<100352xf32, #tpu.memory_space<vmem_shared>>
    tpu.enqueue_indirect_dma source(%dma_start3A_12 : memref<100352xf32, #tpu.memory_space<vmem_shared>>) target(%arg20 : memref<2000xf32, #tpu.memory_space<vmem>>) offsets(%arg10 : memref<2000xi32, #tpu.memory_space<vmem>>) semaphore(%arg40 : memref<!tpu.dma_semaphore, #tpu.memory_space<semaphore_mem>>)
    %dma_start3A_13 = arith.constant 0 : i32
    %dma_start3A_14 = tpu.memref_slice %arg37[%dma_start3A_13] : memref<100352xf32, #tpu.memory_space<vmem_shared>> -> memref<100352xf32, #tpu.memory_space<vmem_shared>>
    tpu.enqueue_indirect_dma source(%dma_start3A_14 : memref<100352xf32, #tpu.memory_space<vmem_shared>>) target(%arg22 : memref<2000xf32, #tpu.memory_space<vmem>>) offsets(%arg10 : memref<2000xi32, #tpu.memory_space<vmem>>) semaphore(%arg40 : memref<!tpu.dma_semaphore, #tpu.memory_space<semaphore_mem>>)
    %dma_start3A_15 = arith.constant 0 : i32
    %dma_start3A_16 = tpu.memref_slice %arg38[%dma_start3A_15] : memref<100352xf32, #tpu.memory_space<vmem_shared>> -> memref<100352xf32, #tpu.memory_space<vmem_shared>>
    tpu.enqueue_indirect_dma source(%dma_start3A_16 : memref<100352xf32, #tpu.memory_space<vmem_shared>>) target(%arg24 : memref<2000xf32, #tpu.memory_space<vmem>>) offsets(%arg10 : memref<2000xi32, #tpu.memory_space<vmem>>) semaphore(%arg40 : memref<!tpu.dma_semaphore, #tpu.memory_space<semaphore_mem>>)
    %dma_start3A_17 = arith.constant 0 : i32
    %dma_start3A_18 = tpu.memref_slice %arg36[%dma_start3A_17] : memref<100352xf32, #tpu.memory_space<vmem_shared>> -> memref<100352xf32, #tpu.memory_space<vmem_shared>>
    tpu.enqueue_indirect_dma source(%dma_start3A_18 : memref<100352xf32, #tpu.memory_space<vmem_shared>>) target(%arg26 : memref<2000xf32, #tpu.memory_space<vmem>>) offsets(%arg12 : memref<2000xi32, #tpu.memory_space<vmem>>) semaphore(%arg40 : memref<!tpu.dma_semaphore, #tpu.memory_space<semaphore_mem>>)
    %dma_start3A_19 = arith.constant 0 : i32
    %dma_start3A_20 = tpu.memref_slice %arg37[%dma_start3A_19] : memref<100352xf32, #tpu.memory_space<vmem_shared>> -> memref<100352xf32, #tpu.memory_space<vmem_shared>>
    tpu.enqueue_indirect_dma source(%dma_start3A_20 : memref<100352xf32, #tpu.memory_space<vmem_shared>>) target(%arg28 : memref<2000xf32, #tpu.memory_space<vmem>>) offsets(%arg12 : memref<2000xi32, #tpu.memory_space<vmem>>) semaphore(%arg40 : memref<!tpu.dma_semaphore, #tpu.memory_space<semaphore_mem>>)
    %dma_start3A_21 = arith.constant 0 : i32
    %dma_start3A_22 = tpu.memref_slice %arg38[%dma_start3A_21] : memref<100352xf32, #tpu.memory_space<vmem_shared>> -> memref<100352xf32, #tpu.memory_space<vmem_shared>>
    tpu.enqueue_indirect_dma source(%dma_start3A_22 : memref<100352xf32, #tpu.memory_space<vmem_shared>>) target(%arg30 : memref<2000xf32, #tpu.memory_space<vmem>>) offsets(%arg12 : memref<2000xi32, #tpu.memory_space<vmem>>) semaphore(%arg40 : memref<!tpu.dma_semaphore, #tpu.memory_space<semaphore_mem>>)
    %add3A_23 = arith.constant 2000 : i32
    %add3A_24 = arith.addi %mul3A_9, %add3A_23 : i32
    %dma_start3A_25 = tpu.memref_slice %arg2[%add3A_24] : memref<3200000xi32, #tpu.memory_space<hbm>> -> memref<2000xi32, #tpu.memory_space<hbm>>
    %dma_start3A_26 = tpu.memref_slice %arg2[%add3A_24] : memref<3200000xi32, #tpu.memory_space<hbm>> -> memref<2000xi32, #tpu.memory_space<hbm>>
    tpu.enqueue_dma source(%dma_start3A_26 : memref<2000xi32, #tpu.memory_space<hbm>>) target(%arg11 : memref<2000xi32, #tpu.memory_space<vmem>>) target_semaphore(%arg39 : memref<!tpu.dma_semaphore, #tpu.memory_space<semaphore_mem>>)
    %dma_start3A_27 = tpu.memref_slice %arg3[%add3A_24] : memref<3200000xi32, #tpu.memory_space<hbm>> -> memref<2000xi32, #tpu.memory_space<hbm>>
    %dma_start3A_28 = tpu.memref_slice %arg3[%add3A_24] : memref<3200000xi32, #tpu.memory_space<hbm>> -> memref<2000xi32, #tpu.memory_space<hbm>>
    tpu.enqueue_dma source(%dma_start3A_28 : memref<2000xi32, #tpu.memory_space<hbm>>) target(%arg13 : memref<2000xi32, #tpu.memory_space<vmem>>) target_semaphore(%arg39 : memref<!tpu.dma_semaphore, #tpu.memory_space<semaphore_mem>>)
    %dma_start3A_29 = tpu.memref_slice %arg4[%add3A_24] : memref<3200000xf32, #tpu.memory_space<hbm>> -> memref<2000xf32, #tpu.memory_space<hbm>>
    %dma_start3A_30 = tpu.memref_slice %arg4[%add3A_24] : memref<3200000xf32, #tpu.memory_space<hbm>> -> memref<2000xf32, #tpu.memory_space<hbm>>
    tpu.enqueue_dma source(%dma_start3A_30 : memref<2000xf32, #tpu.memory_space<hbm>>) target(%arg17 : memref<2000xf32, #tpu.memory_space<vmem>>) target_semaphore(%arg39 : memref<!tpu.dma_semaphore, #tpu.memory_space<semaphore_mem>>)
    %dma_start3A_31 = tpu.memref_slice %arg5[%add3A_24] : memref<3200000xf32, #tpu.memory_space<hbm>> -> memref<2000xf32, #tpu.memory_space<hbm>>
    %dma_start3A_32 = tpu.memref_slice %arg5[%add3A_24] : memref<3200000xf32, #tpu.memory_space<hbm>> -> memref<2000xf32, #tpu.memory_space<hbm>>
    tpu.enqueue_dma source(%dma_start3A_32 : memref<2000xf32, #tpu.memory_space<hbm>>) target(%arg19 : memref<2000xf32, #tpu.memory_space<vmem>>) target_semaphore(%arg39 : memref<!tpu.dma_semaphore, #tpu.memory_space<semaphore_mem>>)
    %scan3A_33 = arith.constant 0 : i32
    %scan3A_34 = arith.constant 0 : i32
    %scan3A_35 = arith.constant 25 : i32
    %scan3A_36 = arith.addi %scan3A_34, %scan3A_35 : i32
    %scan3A_37 = arith.constant 1 : i32
    scf.for %scan3A_48 = %scan3A_34 to %scan3A_36 step %scan3A_37  : i32 {
      %mul3A_49 = arith.constant 2 : i32
      %mul3A_50 = arith.muli %mul3A_49, %scan3A_48 : i32
      %dma_wait3A_51 = arith.constant 0 : i32
      %dma_wait3A_52 = tpu.memref_slice %arg36[%dma_wait3A_51] : memref<100352xf32, #tpu.memory_space<vmem_shared>> -> memref<100352xf32, #tpu.memory_space<vmem_shared>>
      tpu.wait_indirect_dma semaphore(%arg40 : memref<!tpu.dma_semaphore, #tpu.memory_space<semaphore_mem>>) src(%dma_wait3A_52 : memref<100352xf32, #tpu.memory_space<vmem_shared>>) dst(%arg20 : memref<2000xf32, #tpu.memory_space<vmem>>)
      %dma_wait3A_53 = arith.constant 0 : i32
      %dma_wait3A_54 = tpu.memref_slice %arg37[%dma_wait3A_53] : memref<100352xf32, #tpu.memory_space<vmem_shared>> -> memref<100352xf32, #tpu.memory_space<vmem_shared>>
      tpu.wait_indirect_dma semaphore(%arg40 : memref<!tpu.dma_semaphore, #tpu.memory_space<semaphore_mem>>) src(%dma_wait3A_54 : memref<100352xf32, #tpu.memory_space<vmem_shared>>) dst(%arg22 : memref<2000xf32, #tpu.memory_space<vmem>>)
      %dma_wait3A_55 = arith.constant 0 : i32
      %dma_wait3A_56 = tpu.memref_slice %arg38[%dma_wait3A_55] : memref<100352xf32, #tpu.memory_space<vmem_shared>> -> memref<100352xf32, #tpu.memory_space<vmem_shared>>
      tpu.wait_indirect_dma semaphore(%arg40 : memref<!tpu.dma_semaphore, #tpu.memory_space<semaphore_mem>>) src(%dma_wait3A_56 : memref<100352xf32, #tpu.memory_space<vmem_shared>>) dst(%arg24 : memref<2000xf32, #tpu.memory_space<vmem>>)
      %dma_wait3A_57 = arith.constant 0 : i32
      %dma_wait3A_58 = tpu.memref_slice %arg36[%dma_wait3A_57] : memref<100352xf32, #tpu.memory_space<vmem_shared>> -> memref<100352xf32, #tpu.memory_space<vmem_shared>>
      tpu.wait_indirect_dma semaphore(%arg40 : memref<!tpu.dma_semaphore, #tpu.memory_space<semaphore_mem>>) src(%dma_wait3A_58 : memref<100352xf32, #tpu.memory_space<vmem_shared>>) dst(%arg26 : memref<2000xf32, #tpu.memory_space<vmem>>)
      %dma_wait3A_59 = arith.constant 0 : i32
      %dma_wait3A_60 = tpu.memref_slice %arg37[%dma_wait3A_59] : memref<100352xf32, #tpu.memory_space<vmem_shared>> -> memref<100352xf32, #tpu.memory_space<vmem_shared>>
      tpu.wait_indirect_dma semaphore(%arg40 : memref<!tpu.dma_semaphore, #tpu.memory_space<semaphore_mem>>) src(%dma_wait3A_60 : memref<100352xf32, #tpu.memory_space<vmem_shared>>) dst(%arg28 : memref<2000xf32, #tpu.memory_space<vmem>>)
      %dma_wait3A_61 = arith.constant 0 : i32
      %dma_wait3A_62 = tpu.memref_slice %arg38[%dma_wait3A_61] : memref<100352xf32, #tpu.memory_space<vmem_shared>> -> memref<100352xf32, #tpu.memory_space<vmem_shared>>
      tpu.wait_indirect_dma semaphore(%arg40 : memref<!tpu.dma_semaphore, #tpu.memory_space<semaphore_mem>>) src(%dma_wait3A_62 : memref<100352xf32, #tpu.memory_space<vmem_shared>>) dst(%arg30 : memref<2000xf32, #tpu.memory_space<vmem>>)
      %add3A_63 = arith.constant 1 : i32
      %add3A_64 = arith.addi %mul3A_50, %add3A_63 : i32
      %mul3A_65 = arith.constant 2000 : i32
      %mul3A_66 = arith.muli %add3A_64, %mul3A_65 : i32
      %add3A_67 = arith.addi %mul3A_9, %mul3A_66 : i32
      %dma_wait3A_68 = tpu.memref_slice %arg2[%add3A_67] : memref<3200000xi32, #tpu.memory_space<hbm>> -> memref<2000xi32, #tpu.memory_space<hbm>>
      %dma_wait3A_69 = tpu.memref_slice %arg2[%add3A_67] : memref<3200000xi32, #tpu.memory_space<hbm>> -> memref<2000xi32, #tpu.memory_space<hbm>>
      tpu.wait_dma2 semaphore(%arg39 : memref<!tpu.dma_semaphore, #tpu.memory_space<semaphore_mem>>) src(%dma_wait3A_69 : memref<2000xi32, #tpu.memory_space<hbm>>) dst(%arg11 : memref<2000xi32, #tpu.memory_space<vmem>>)
      %dma_wait3A_70 = tpu.memref_slice %arg3[%add3A_67] : memref<3200000xi32, #tpu.memory_space<hbm>> -> memref<2000xi32, #tpu.memory_space<hbm>>
      %dma_wait3A_71 = tpu.memref_slice %arg3[%add3A_67] : memref<3200000xi32, #tpu.memory_space<hbm>> -> memref<2000xi32, #tpu.memory_space<hbm>>
      tpu.wait_dma2 semaphore(%arg39 : memref<!tpu.dma_semaphore, #tpu.memory_space<semaphore_mem>>) src(%dma_wait3A_71 : memref<2000xi32, #tpu.memory_space<hbm>>) dst(%arg13 : memref<2000xi32, #tpu.memory_space<vmem>>)
      %dma_wait3A_72 = tpu.memref_slice %arg4[%add3A_67] : memref<3200000xf32, #tpu.memory_space<hbm>> -> memref<2000xf32, #tpu.memory_space<hbm>>
      %dma_wait3A_73 = tpu.memref_slice %arg4[%add3A_67] : memref<3200000xf32, #tpu.memory_space<hbm>> -> memref<2000xf32, #tpu.memory_space<hbm>>
      tpu.wait_dma2 semaphore(%arg39 : memref<!tpu.dma_semaphore, #tpu.memory_space<semaphore_mem>>) src(%dma_wait3A_73 : memref<2000xf32, #tpu.memory_space<hbm>>) dst(%arg17 : memref<2000xf32, #tpu.memory_space<vmem>>)
      %dma_wait3A_74 = tpu.memref_slice %arg5[%add3A_67] : memref<3200000xf32, #tpu.memory_space<hbm>> -> memref<2000xf32, #tpu.memory_space<hbm>>
      %dma_wait3A_75 = tpu.memref_slice %arg5[%add3A_67] : memref<3200000xf32, #tpu.memory_space<hbm>> -> memref<2000xf32, #tpu.memory_space<hbm>>
      tpu.wait_dma2 semaphore(%arg39 : memref<!tpu.dma_semaphore, #tpu.memory_space<semaphore_mem>>) src(%dma_wait3A_75 : memref<2000xf32, #tpu.memory_space<hbm>>) dst(%arg19 : memref<2000xf32, #tpu.memory_space<vmem>>)
      %dma_start3A_76 = arith.constant 0 : i32
      %dma_start3A_77 = tpu.memref_slice %arg36[%dma_start3A_76] : memref<100352xf32, #tpu.memory_space<vmem_shared>> -> memref<100352xf32, #tpu.memory_space<vmem_shared>>
      tpu.enqueue_indirect_dma source(%dma_start3A_77 : memref<100352xf32, #tpu.memory_space<vmem_shared>>) target(%arg21 : memref<2000xf32, #tpu.memory_space<vmem>>) offsets(%arg11 : memref<2000xi32, #tpu.memory_space<vmem>>) semaphore(%arg40 : memref<!tpu.dma_semaphore, #tpu.memory_space<semaphore_mem>>)
      %dma_start3A_78 = arith.constant 0 : i32
      %dma_start3A_79 = tpu.memref_slice %arg37[%dma_start3A_78] : memref<100352xf32, #tpu.memory_space<vmem_shared>> -> memref<100352xf32, #tpu.memory_space<vmem_shared>>
      tpu.enqueue_indirect_dma source(%dma_start3A_79 : memref<100352xf32, #tpu.memory_space<vmem_shared>>) target(%arg23 : memref<2000xf32, #tpu.memory_space<vmem>>) offsets(%arg11 : memref<2000xi32, #tpu.memory_space<vmem>>) semaphore(%arg40 : memref<!tpu.dma_semaphore, #tpu.memory_space<semaphore_mem>>)
      %dma_start3A_80 = arith.constant 0 : i32
      %dma_start3A_81 = tpu.memref_slice %arg38[%dma_start3A_80] : memref<100352xf32, #tpu.memory_space<vmem_shared>> -> memref<100352xf32, #tpu.memory_space<vmem_shared>>
      tpu.enqueue_indirect_dma source(%dma_start3A_81 : memref<100352xf32, #tpu.memory_space<vmem_shared>>) target(%arg25 : memref<2000xf32, #tpu.memory_space<vmem>>) offsets(%arg11 : memref<2000xi32, #tpu.memory_space<vmem>>) semaphore(%arg40 : memref<!tpu.dma_semaphore, #tpu.memory_space<semaphore_mem>>)
      %dma_start3A_82 = arith.constant 0 : i32
      %dma_start3A_83 = tpu.memref_slice %arg36[%dma_start3A_82] : memref<100352xf32, #tpu.memory_space<vmem_shared>> -> memref<100352xf32, #tpu.memory_space<vmem_shared>>
      tpu.enqueue_indirect_dma source(%dma_start3A_83 : memref<100352xf32, #tpu.memory_space<vmem_shared>>) target(%arg27 : memref<2000xf32, #tpu.memory_space<vmem>>) offsets(%arg13 : memref<2000xi32, #tpu.memory_space<vmem>>) semaphore(%arg40 : memref<!tpu.dma_semaphore, #tpu.memory_space<semaphore_mem>>)
      %dma_start3A_84 = arith.constant 0 : i32
      %dma_start3A_85 = tpu.memref_slice %arg37[%dma_start3A_84] : memref<100352xf32, #tpu.memory_space<vmem_shared>> -> memref<100352xf32, #tpu.memory_space<vmem_shared>>
      tpu.enqueue_indirect_dma source(%dma_start3A_85 : memref<100352xf32, #tpu.memory_space<vmem_shared>>) target(%arg29 : memref<2000xf32, #tpu.memory_space<vmem>>) offsets(%arg13 : memref<2000xi32, #tpu.memory_space<vmem>>) semaphore(%arg40 : memref<!tpu.dma_semaphore, #tpu.memory_space<semaphore_mem>>)
      %dma_start3A_86 = arith.constant 0 : i32
      %dma_start3A_87 = tpu.memref_slice %arg38[%dma_start3A_86] : memref<100352xf32, #tpu.memory_space<vmem_shared>> -> memref<100352xf32, #tpu.memory_space<vmem_shared>>
      tpu.enqueue_indirect_dma source(%dma_start3A_87 : memref<100352xf32, #tpu.memory_space<vmem_shared>>) target(%arg31 : memref<2000xf32, #tpu.memory_space<vmem>>) offsets(%arg13 : memref<2000xi32, #tpu.memory_space<vmem>>) semaphore(%arg40 : memref<!tpu.dma_semaphore, #tpu.memory_space<semaphore_mem>>)
      %gt3A = arith.constant 0 : i32
      %gt3A_88 = arith.cmpi sgt, %scan3A_48, %gt3A : i32
      %convert_element_type3A = arith.extui %gt3A_88 : i1 to i32
      %cond3A = arith.constant 0 : i32
      %cond3A_89 = arith.cmpi ne, %convert_element_type3A, %cond3A : i32
      scf.if %cond3A_89 {
        %dma_wait3A_143 = arith.constant 0 : i32
        %dma_wait3A_144 = tpu.memref_slice %arg35[%dma_wait3A_143] : memref<100352xf32, #tpu.memory_space<vmem_shared>> -> memref<100352xf32, #tpu.memory_space<vmem_shared>>
        tpu.wait_indirect_dma semaphore(%arg41 : memref<!tpu.dma_semaphore, #tpu.memory_space<semaphore_mem>>) src(%arg32 : memref<2000xf32, #tpu.memory_space<vmem>>) dst(%dma_wait3A_144 : memref<100352xf32, #tpu.memory_space<vmem_shared>>)
      } else {
      }
      %scan3A_90 = arith.constant 0 : i32
      %scan3A_91 = arith.constant 0 : i32
      %scan3A_92 = arith.constant 125 : i32
      %scan3A_93 = arith.addi %scan3A_91, %scan3A_92 : i32
      %scan3A_94 = arith.constant 1 : i32
      scf.for %scan3A_143 = %scan3A_91 to %scan3A_93 step %scan3A_94  : i32 {
        %mul3A_144 = arith.constant 16 : i32
        %mul3A_145 = arith.muli %scan3A_143, %mul3A_144 : i32
        %get3A = arith.index_cast %mul3A_145 : i32 to index
        %get3A_146 = tpu.vector_load %arg20[%get3A] {strides = array<i32>} : memref<2000xf32, #tpu.memory_space<vmem>>, vector<16xf32>,
        %get3A_147 = vector.shape_cast %get3A_146 : vector<16xf32> to vector<16xf32>
        %get3A_148 = arith.index_cast %mul3A_145 : i32 to index
        %get3A_149 = tpu.vector_load %arg26[%get3A_148] {strides = array<i32>} : memref<2000xf32, #tpu.memory_space<vmem>>, vector<16xf32>,
        %get3A_150 = vector.shape_cast %get3A_149 : vector<16xf32> to vector<16xf32>
        %sub3A = arith.subf %get3A_147, %get3A_150 : vector<16xf32>
        %get3A_151 = arith.index_cast %mul3A_145 : i32 to index
        %get3A_152 = tpu.vector_load %arg22[%get3A_151] {strides = array<i32>} : memref<2000xf32, #tpu.memory_space<vmem>>, vector<16xf32>,
        %get3A_153 = vector.shape_cast %get3A_152 : vector<16xf32> to vector<16xf32>
        %get3A_154 = arith.index_cast %mul3A_145 : i32 to index
        %get3A_155 = tpu.vector_load %arg28[%get3A_154] {strides = array<i32>} : memref<2000xf32, #tpu.memory_space<vmem>>, vector<16xf32>,
        %get3A_156 = vector.shape_cast %get3A_155 : vector<16xf32> to vector<16xf32>
        %sub3A_157 = arith.subf %get3A_153, %get3A_156 : vector<16xf32>
        %get3A_158 = arith.index_cast %mul3A_145 : i32 to index
        %get3A_159 = tpu.vector_load %arg24[%get3A_158] {strides = array<i32>} : memref<2000xf32, #tpu.memory_space<vmem>>, vector<16xf32>,
        %get3A_160 = vector.shape_cast %get3A_159 : vector<16xf32> to vector<16xf32>
        %get3A_161 = arith.index_cast %mul3A_145 : i32 to index
        %get3A_162 = tpu.vector_load %arg30[%get3A_161] {strides = array<i32>} : memref<2000xf32, #tpu.memory_space<vmem>>, vector<16xf32>,
        %get3A_163 = vector.shape_cast %get3A_162 : vector<16xf32> to vector<16xf32>
        %sub3A_164 = arith.subf %get3A_160, %get3A_163 : vector<16xf32>
        %mul3A_165 = arith.mulf %sub3A, %sub3A : vector<16xf32>
        %mul3A_166 = arith.mulf %sub3A_157, %sub3A_157 : vector<16xf32>
        %add3A_167 = arith.addf %mul3A_165, %mul3A_166 : vector<16xf32>
        %mul3A_168 = arith.mulf %sub3A_164, %sub3A_164 : vector<16xf32>
        %add3A_169 = arith.addf %add3A_167, %mul3A_168 : vector<16xf32>
        %max3A = arith.constant 1.000000e-30 : f32
        %max3A_170 = vector.broadcast %max3A : f32 to vector<16xf32>
        %max3A_171 = arith.maximumf %add3A_169, %max3A_170 : vector<16xf32>
        %bitcast_convert_type3A = tpu.bitcast %max3A_171 : vector<16xf32> -> vector<16xi32>
        %shift_right_arithmetic3A = arith.constant 1 : i32
        %shift_right_arithmetic3A_172 = vector.broadcast %shift_right_arithmetic3A : i32 to vector<16xi32>
        %shift_right_arithmetic3A_173 = arith.shrsi %bitcast_convert_type3A, %shift_right_arithmetic3A_172 : vector<16xi32>
        %sub3A_174 = arith.constant 1597463007 : i32
        %sub3A_175 = vector.broadcast %sub3A_174 : i32 to vector<16xi32>
        %sub3A_176 = arith.subi %sub3A_175, %shift_right_arithmetic3A_173 : vector<16xi32>
        %bitcast_convert_type3A_177 = tpu.bitcast %sub3A_176 : vector<16xi32> -> vector<16xf32>
        %mul3A_178 = arith.constant 5.000000e-01 : f32
        %mul3A_179 = vector.broadcast %mul3A_178 : f32 to vector<16xf32>
        %mul3A_180 = arith.mulf %mul3A_179, %max3A_171 : vector<16xf32>
        %mul3A_181 = arith.mulf %mul3A_180, %bitcast_convert_type3A_177 : vector<16xf32>
        %mul3A_182 = arith.mulf %mul3A_181, %bitcast_convert_type3A_177 : vector<16xf32>
        %sub3A_183 = arith.constant 1.500000e+00 : f32
        %sub3A_184 = vector.broadcast %sub3A_183 : f32 to vector<16xf32>
        %sub3A_185 = arith.subf %sub3A_184, %mul3A_182 : vector<16xf32>
        %mul3A_186 = arith.mulf %bitcast_convert_type3A_177, %sub3A_185 : vector<16xf32>
        %mul3A_187 = arith.constant 5.000000e-01 : f32
        %mul3A_188 = vector.broadcast %mul3A_187 : f32 to vector<16xf32>
        %mul3A_189 = arith.mulf %mul3A_188, %max3A_171 : vector<16xf32>
        %mul3A_190 = arith.mulf %mul3A_189, %mul3A_186 : vector<16xf32>
        %mul3A_191 = arith.mulf %mul3A_190, %mul3A_186 : vector<16xf32>
        %sub3A_192 = arith.constant 1.500000e+00 : f32
        %sub3A_193 = vector.broadcast %sub3A_192 : f32 to vector<16xf32>
        %sub3A_194 = arith.subf %sub3A_193, %mul3A_191 : vector<16xf32>
        %mul3A_195 = arith.mulf %mul3A_186, %sub3A_194 : vector<16xf32>
        %mul3A_196 = arith.constant 5.000000e-01 : f32
        %mul3A_197 = vector.broadcast %mul3A_196 : f32 to vector<16xf32>
        %mul3A_198 = arith.mulf %mul3A_197, %max3A_171 : vector<16xf32>
        %mul3A_199 = arith.mulf %mul3A_198, %mul3A_195 : vector<16xf32>
        %mul3A_200 = arith.mulf %mul3A_199, %mul3A_195 : vector<16xf32>
        %sub3A_201 = arith.constant 1.500000e+00 : f32
        %sub3A_202 = vector.broadcast %sub3A_201 : f32 to vector<16xf32>
        %sub3A_203 = arith.subf %sub3A_202, %mul3A_200 : vector<16xf32>
        %mul3A_204 = arith.mulf %mul3A_195, %sub3A_203 : vector<16xf32>
        %mul3A_205 = arith.mulf %add3A_169, %mul3A_204 : vector<16xf32>
        %get3A_206 = arith.index_cast %mul3A_145 : i32 to index
        %get3A_207 = tpu.vector_load %arg16[%get3A_206] {strides = array<i32>} : memref<2000xf32, #tpu.memory_space<vmem>>, vector<16xf32>,
        %get3A_208 = vector.shape_cast %get3A_207 : vector<16xf32> to vector<16xf32>
        %sub3A_209 = arith.subf %mul3A_205, %get3A_208 : vector<16xf32>
        %get3A_210 = arith.index_cast %mul3A_145 : i32 to index
        %get3A_211 = tpu.vector_load %arg18[%get3A_210] {strides = array<i32>} : memref<2000xf32, #tpu.memory_space<vmem>>, vector<16xf32>,
        %get3A_212 = vector.shape_cast %get3A_211 : vector<16xf32> to vector<16xf32>
        %mul3A_213 = arith.constant 5.000000e-01 : f32
        %mul3A_214 = vector.broadcast %mul3A_213 : f32 to vector<16xf32>
        %mul3A_215 = arith.mulf %mul3A_214, %get3A_212 : vector<16xf32>
        %mul3A_216 = arith.mulf %mul3A_215, %sub3A_209 : vector<16xf32>
        %mul3A_217 = arith.mulf %mul3A_216, %sub3A_209 : vector<16xf32>
        %swap3A = arith.index_cast %mul3A_145 : i32 to index
        %swap3A_218 = tpu.vector_load %arg32[%swap3A] {strides = array<i32>} : memref<2000xf32, #tpu.memory_space<vmem>>, vector<16xf32>,
        %swap3A_219 = vector.shape_cast %swap3A_218 : vector<16xf32> to vector<16xf32>
        %swap3A_220 = vector.shape_cast %mul3A_217 : vector<16xf32> to vector<16xf32>
        tpu.vector_store %arg32[%swap3A], %swap3A_220 {strides = array<i32>} : memref<2000xf32, #tpu.memory_space<vmem>>, vector<16xf32>,
        %get3A_221 = arith.index_cast %mul3A_145 : i32 to index
        %get3A_222 = tpu.vector_load %arg10[%get3A_221] {strides = array<i32>} : memref<2000xi32, #tpu.memory_space<vmem>>, vector<16xi32>,
        %get3A_223 = vector.shape_cast %get3A_222 : vector<16xi32> to vector<16xi32>
        %swap3A_224 = arith.index_cast %mul3A_145 : i32 to index
        %swap3A_225 = tpu.vector_load %arg14[%swap3A_224] {strides = array<i32>} : memref<2000xi32, #tpu.memory_space<vmem>>, vector<16xi32>,
        %swap3A_226 = vector.shape_cast %swap3A_225 : vector<16xi32> to vector<16xi32>
        %swap3A_227 = vector.shape_cast %get3A_223 : vector<16xi32> to vector<16xi32>
        tpu.vector_store %arg14[%swap3A_224], %swap3A_227 {strides = array<i32>} : memref<2000xi32, #tpu.memory_space<vmem>>, vector<16xi32>,
      }
      %scan3A_95 = arith.constant 125 : i32
      %dma_start3A_96 = arith.constant 0 : i32
      %dma_start3A_97 = tpu.memref_slice %arg35[%dma_start3A_96] : memref<100352xf32, #tpu.memory_space<vmem_shared>> -> memref<100352xf32, #tpu.memory_space<vmem_shared>>
      tpu.enqueue_indirect_dma source(%arg32 : memref<2000xf32, #tpu.memory_space<vmem>>) target(%dma_start3A_97 : memref<100352xf32, #tpu.memory_space<vmem_shared>>) offsets(%arg14 : memref<2000xi32, #tpu.memory_space<vmem>>) semaphore(%arg41 : memref<!tpu.dma_semaphore, #tpu.memory_space<semaphore_mem>>) {add = true}
      %add3A_98 = arith.constant 1 : i32
      %add3A_99 = arith.addi %scan3A_48, %add3A_98 : i32
      %lt3A = arith.constant 25 : i32
      %lt3A_100 = arith.cmpi slt, %add3A_99, %lt3A : i32
      %convert_element_type3A_101 = arith.extui %lt3A_100 : i1 to i32
      %cond3A_102 = arith.constant 0 : i32
      %cond3A_103 = arith.cmpi ne, %convert_element_type3A_101, %cond3A_102 : i32
      scf.if %cond3A_103 {
        %add3A_143 = arith.constant 2 : i32
        %add3A_144 = arith.addi %mul3A_50, %add3A_143 : i32
        %mul3A_145 = arith.constant 2000 : i32
        %mul3A_146 = arith.muli %add3A_144, %mul3A_145 : i32
        %add3A_147 = arith.addi %mul3A_9, %mul3A_146 : i32
        %dma_start3A_148 = tpu.memref_slice %arg2[%add3A_147] : memref<3200000xi32, #tpu.memory_space<hbm>> -> memref<2000xi32, #tpu.memory_space<hbm>>
        %dma_start3A_149 = tpu.memref_slice %arg2[%add3A_147] : memref<3200000xi32, #tpu.memory_space<hbm>> -> memref<2000xi32, #tpu.memory_space<hbm>>
        tpu.enqueue_dma source(%dma_start3A_149 : memref<2000xi32, #tpu.memory_space<hbm>>) target(%arg10 : memref<2000xi32, #tpu.memory_space<vmem>>) target_semaphore(%arg39 : memref<!tpu.dma_semaphore, #tpu.memory_space<semaphore_mem>>)
        %dma_start3A_150 = tpu.memref_slice %arg3[%add3A_147] : memref<3200000xi32, #tpu.memory_space<hbm>> -> memref<2000xi32, #tpu.memory_space<hbm>>
        %dma_start3A_151 = tpu.memref_slice %arg3[%add3A_147] : memref<3200000xi32, #tpu.memory_space<hbm>> -> memref<2000xi32, #tpu.memory_space<hbm>>
        tpu.enqueue_dma source(%dma_start3A_151 : memref<2000xi32, #tpu.memory_space<hbm>>) target(%arg12 : memref<2000xi32, #tpu.memory_space<vmem>>) target_semaphore(%arg39 : memref<!tpu.dma_semaphore, #tpu.memory_space<semaphore_mem>>)
        %dma_start3A_152 = tpu.memref_slice %arg4[%add3A_147] : memref<3200000xf32, #tpu.memory_space<hbm>> -> memref<2000xf32, #tpu.memory_space<hbm>>
        %dma_start3A_153 = tpu.memref_slice %arg4[%add3A_147] : memref<3200000xf32, #tpu.memory_space<hbm>> -> memref<2000xf32, #tpu.memory_space<hbm>>
        tpu.enqueue_dma source(%dma_start3A_153 : memref<2000xf32, #tpu.memory_space<hbm>>) target(%arg16 : memref<2000xf32, #tpu.memory_space<vmem>>) target_semaphore(%arg39 : memref<!tpu.dma_semaphore, #tpu.memory_space<semaphore_mem>>)
        %dma_start3A_154 = tpu.memref_slice %arg5[%add3A_147] : memref<3200000xf32, #tpu.memory_space<hbm>> -> memref<2000xf32, #tpu.memory_space<hbm>>
        %dma_start3A_155 = tpu.memref_slice %arg5[%add3A_147] : memref<3200000xf32, #tpu.memory_space<hbm>> -> memref<2000xf32, #tpu.memory_space<hbm>>
        tpu.enqueue_dma source(%dma_start3A_155 : memref<2000xf32, #tpu.memory_space<hbm>>) target(%arg18 : memref<2000xf32, #tpu.memory_space<vmem>>) target_semaphore(%arg39 : memref<!tpu.dma_semaphore, #tpu.memory_space<semaphore_mem>>)
      } else {
      }
      %dma_wait3A_104 = arith.constant 0 : i32
      %dma_wait3A_105 = tpu.memref_slice %arg36[%dma_wait3A_104] : memref<100352xf32, #tpu.memory_space<vmem_shared>> -> memref<100352xf32, #tpu.memory_space<vmem_shared>>
      tpu.wait_indirect_dma semaphore(%arg40 : memref<!tpu.dma_semaphore, #tpu.memory_space<semaphore_mem>>) src(%dma_wait3A_105 : memref<100352xf32, #tpu.memory_space<vmem_shared>>) dst(%arg21 : memref<2000xf32, #tpu.memory_space<vmem>>)
      %dma_wait3A_106 = arith.constant 0 : i32
      %dma_wait3A_107 = tpu.memref_slice %arg37[%dma_wait3A_106] : memref<100352xf32, #tpu.memory_space<vmem_shared>> -> memref<100352xf32, #tpu.memory_space<vmem_shared>>
      tpu.wait_indirect_dma semaphore(%arg40 : memref<!tpu.dma_semaphore, #tpu.memory_space<semaphore_mem>>) src(%dma_wait3A_107 : memref<100352xf32, #tpu.memory_space<vmem_shared>>) dst(%arg23 : memref<2000xf32, #tpu.memory_space<vmem>>)
      %dma_wait3A_108 = arith.constant 0 : i32
      %dma_wait3A_109 = tpu.memref_slice %arg38[%dma_wait3A_108] : memref<100352xf32, #tpu.memory_space<vmem_shared>> -> memref<100352xf32, #tpu.memory_space<vmem_shared>>
      tpu.wait_indirect_dma semaphore(%arg40 : memref<!tpu.dma_semaphore, #tpu.memory_space<semaphore_mem>>) src(%dma_wait3A_109 : memref<100352xf32, #tpu.memory_space<vmem_shared>>) dst(%arg25 : memref<2000xf32, #tpu.memory_space<vmem>>)
      %dma_wait3A_110 = arith.constant 0 : i32
      %dma_wait3A_111 = tpu.memref_slice %arg36[%dma_wait3A_110] : memref<100352xf32, #tpu.memory_space<vmem_shared>> -> memref<100352xf32, #tpu.memory_space<vmem_shared>>
      tpu.wait_indirect_dma semaphore(%arg40 : memref<!tpu.dma_semaphore, #tpu.memory_space<semaphore_mem>>) src(%dma_wait3A_111 : memref<100352xf32, #tpu.memory_space<vmem_shared>>) dst(%arg27 : memref<2000xf32, #tpu.memory_space<vmem>>)
      %dma_wait3A_112 = arith.constant 0 : i32
      %dma_wait3A_113 = tpu.memref_slice %arg37[%dma_wait3A_112] : memref<100352xf32, #tpu.memory_space<vmem_shared>> -> memref<100352xf32, #tpu.memory_space<vmem_shared>>
      tpu.wait_indirect_dma semaphore(%arg40 : memref<!tpu.dma_semaphore, #tpu.memory_space<semaphore_mem>>) src(%dma_wait3A_113 : memref<100352xf32, #tpu.memory_space<vmem_shared>>) dst(%arg29 : memref<2000xf32, #tpu.memory_space<vmem>>)
      %dma_wait3A_114 = arith.constant 0 : i32
      %dma_wait3A_115 = tpu.memref_slice %arg38[%dma_wait3A_114] : memref<100352xf32, #tpu.memory_space<vmem_shared>> -> memref<100352xf32, #tpu.memory_space<vmem_shared>>
      tpu.wait_indirect_dma semaphore(%arg40 : memref<!tpu.dma_semaphore, #tpu.memory_space<semaphore_mem>>) src(%dma_wait3A_115 : memref<100352xf32, #tpu.memory_space<vmem_shared>>) dst(%arg31 : memref<2000xf32, #tpu.memory_space<vmem>>)
      %add3A_116 = arith.constant 1 : i32
      %add3A_117 = arith.addi %scan3A_48, %add3A_116 : i32
      %lt3A_118 = arith.constant 25 : i32
      %lt3A_119 = arith.cmpi slt, %add3A_117, %lt3A_118 : i32
      %convert_element_type3A_120 = arith.extui %lt3A_119 : i1 to i32
      %cond3A_121 = arith.constant 0 : i32
      %cond3A_122 = arith.cmpi ne, %convert_element_type3A_120, %cond3A_121 : i32
      scf.if %cond3A_122 {
        %add3A_143 = arith.constant 2 : i32
        %add3A_144 = arith.addi %mul3A_50, %add3A_143 : i32
        %mul3A_145 = arith.constant 2000 : i32
        %mul3A_146 = arith.muli %add3A_144, %mul3A_145 : i32
        %add3A_147 = arith.addi %mul3A_9, %mul3A_146 : i32
        %dma_wait3A_148 = tpu.memref_slice %arg2[%add3A_147] : memref<3200000xi32, #tpu.memory_space<hbm>> -> memref<2000xi32, #tpu.memory_space<hbm>>
        %dma_wait3A_149 = tpu.memref_slice %arg2[%add3A_147] : memref<3200000xi32, #tpu.memory_space<hbm>> -> memref<2000xi32, #tpu.memory_space<hbm>>
        tpu.wait_dma2 semaphore(%arg39 : memref<!tpu.dma_semaphore, #tpu.memory_space<semaphore_mem>>) src(%dma_wait3A_149 : memref<2000xi32, #tpu.memory_space<hbm>>) dst(%arg10 : memref<2000xi32, #tpu.memory_space<vmem>>)
        %dma_wait3A_150 = tpu.memref_slice %arg3[%add3A_147] : memref<3200000xi32, #tpu.memory_space<hbm>> -> memref<2000xi32, #tpu.memory_space<hbm>>
        %dma_wait3A_151 = tpu.memref_slice %arg3[%add3A_147] : memref<3200000xi32, #tpu.memory_space<hbm>> -> memref<2000xi32, #tpu.memory_space<hbm>>
        tpu.wait_dma2 semaphore(%arg39 : memref<!tpu.dma_semaphore, #tpu.memory_space<semaphore_mem>>) src(%dma_wait3A_151 : memref<2000xi32, #tpu.memory_space<hbm>>) dst(%arg12 : memref<2000xi32, #tpu.memory_space<vmem>>)
        %dma_wait3A_152 = tpu.memref_slice %arg4[%add3A_147] : memref<3200000xf32, #tpu.memory_space<hbm>> -> memref<2000xf32, #tpu.memory_space<hbm>>
        %dma_wait3A_153 = tpu.memref_slice %arg4[%add3A_147] : memref<3200000xf32, #tpu.memory_space<hbm>> -> memref<2000xf32, #tpu.memory_space<hbm>>
        tpu.wait_dma2 semaphore(%arg39 : memref<!tpu.dma_semaphore, #tpu.memory_space<semaphore_mem>>) src(%dma_wait3A_153 : memref<2000xf32, #tpu.memory_space<hbm>>) dst(%arg16 : memref<2000xf32, #tpu.memory_space<vmem>>)
        %dma_wait3A_154 = tpu.memref_slice %arg5[%add3A_147] : memref<3200000xf32, #tpu.memory_space<hbm>> -> memref<2000xf32, #tpu.memory_space<hbm>>
        %dma_wait3A_155 = tpu.memref_slice %arg5[%add3A_147] : memref<3200000xf32, #tpu.memory_space<hbm>> -> memref<2000xf32, #tpu.memory_space<hbm>>
        tpu.wait_dma2 semaphore(%arg39 : memref<!tpu.dma_semaphore, #tpu.memory_space<semaphore_mem>>) src(%dma_wait3A_155 : memref<2000xf32, #tpu.memory_space<hbm>>) dst(%arg18 : memref<2000xf32, #tpu.memory_space<vmem>>)
        %dma_start3A_156 = arith.constant 0 : i32
        %dma_start3A_157 = tpu.memref_slice %arg36[%dma_start3A_156] : memref<100352xf32, #tpu.memory_space<vmem_shared>> -> memref<100352xf32, #tpu.memory_space<vmem_shared>>
        tpu.enqueue_indirect_dma source(%dma_start3A_157 : memref<100352xf32, #tpu.memory_space<vmem_shared>>) target(%arg20 : memref<2000xf32, #tpu.memory_space<vmem>>) offsets(%arg10 : memref<2000xi32, #tpu.memory_space<vmem>>) semaphore(%arg40 : memref<!tpu.dma_semaphore, #tpu.memory_space<semaphore_mem>>)
        %dma_start3A_158 = arith.constant 0 : i32
        %dma_start3A_159 = tpu.memref_slice %arg37[%dma_start3A_158] : memref<100352xf32, #tpu.memory_space<vmem_shared>> -> memref<100352xf32, #tpu.memory_space<vmem_shared>>
        tpu.enqueue_indirect_dma source(%dma_start3A_159 : memref<100352xf32, #tpu.memory_space<vmem_shared>>) target(%arg22 : memref<2000xf32, #tpu.memory_space<vmem>>) offsets(%arg10 : memref<2000xi32, #tpu.memory_space<vmem>>) semaphore(%arg40 : memref<!tpu.dma_semaphore, #tpu.memory_space<semaphore_mem>>)
        %dma_start3A_160 = arith.constant 0 : i32
        %dma_start3A_161 = tpu.memref_slice %arg38[%dma_start3A_160] : memref<100352xf32, #tpu.memory_space<vmem_shared>> -> memref<100352xf32, #tpu.memory_space<vmem_shared>>
        tpu.enqueue_indirect_dma source(%dma_start3A_161 : memref<100352xf32, #tpu.memory_space<vmem_shared>>) target(%arg24 : memref<2000xf32, #tpu.memory_space<vmem>>) offsets(%arg10 : memref<2000xi32, #tpu.memory_space<vmem>>) semaphore(%arg40 : memref<!tpu.dma_semaphore, #tpu.memory_space<semaphore_mem>>)
        %dma_start3A_162 = arith.constant 0 : i32
        %dma_start3A_163 = tpu.memref_slice %arg36[%dma_start3A_162] : memref<100352xf32, #tpu.memory_space<vmem_shared>> -> memref<100352xf32, #tpu.memory_space<vmem_shared>>
        tpu.enqueue_indirect_dma source(%dma_start3A_163 : memref<100352xf32, #tpu.memory_space<vmem_shared>>) target(%arg26 : memref<2000xf32, #tpu.memory_space<vmem>>) offsets(%arg12 : memref<2000xi32, #tpu.memory_space<vmem>>) semaphore(%arg40 : memref<!tpu.dma_semaphore, #tpu.memory_space<semaphore_mem>>)
        %dma_start3A_164 = arith.constant 0 : i32
        %dma_start3A_165 = tpu.memref_slice %arg37[%dma_start3A_164] : memref<100352xf32, #tpu.memory_space<vmem_shared>> -> memref<100352xf32, #tpu.memory_space<vmem_shared>>
        tpu.enqueue_indirect_dma source(%dma_start3A_165 : memref<100352xf32, #tpu.memory_space<vmem_shared>>) target(%arg28 : memref<2000xf32, #tpu.memory_space<vmem>>) offsets(%arg12 : memref<2000xi32, #tpu.memory_space<vmem>>) semaphore(%arg40 : memref<!tpu.dma_semaphore, #tpu.memory_space<semaphore_mem>>)
        %dma_start3A_166 = arith.constant 0 : i32
        %dma_start3A_167 = tpu.memref_slice %arg38[%dma_start3A_166] : memref<100352xf32, #tpu.memory_space<vmem_shared>> -> memref<100352xf32, #tpu.memory_space<vmem_shared>>
        tpu.enqueue_indirect_dma source(%dma_start3A_167 : memref<100352xf32, #tpu.memory_space<vmem_shared>>) target(%arg30 : memref<2000xf32, #tpu.memory_space<vmem>>) offsets(%arg12 : memref<2000xi32, #tpu.memory_space<vmem>>) semaphore(%arg40 : memref<!tpu.dma_semaphore, #tpu.memory_space<semaphore_mem>>)
      } else {
      }
      %gt3A_123 = arith.constant 0 : i32
      %gt3A_124 = arith.cmpi sgt, %scan3A_48, %gt3A_123 : i32
      %convert_element_type3A_125 = arith.extui %gt3A_124 : i1 to i32
      %cond3A_126 = arith.constant 0 : i32
      %cond3A_127 = arith.cmpi ne, %convert_element_type3A_125, %cond3A_126 : i32
      scf.if %cond3A_127 {
        %dma_wait3A_143 = arith.constant 0 : i32
        %dma_wait3A_144 = tpu.memref_slice %arg35[%dma_wait3A_143] : memref<100352xf32, #tpu.memory_space<vmem_shared>> -> memref<100352xf32, #tpu.memory_space<vmem_shared>>
        tpu.wait_indirect_dma semaphore(%arg41 : memref<!tpu.dma_semaphore, #tpu.memory_space<semaphore_mem>>) src(%arg33 : memref<2000xf32, #tpu.memory_space<vmem>>) dst(%dma_wait3A_144 : memref<100352xf32, #tpu.memory_space<vmem_shared>>)
      } else {
      }
      %scan3A_128 = arith.constant 0 : i32
      %scan3A_129 = arith.constant 0 : i32
      %scan3A_130 = arith.constant 125 : i32
      %scan3A_131 = arith.addi %scan3A_129, %scan3A_130 : i32
      %scan3A_132 = arith.constant 1 : i32
      scf.for %scan3A_143 = %scan3A_129 to %scan3A_131 step %scan3A_132  : i32 {
        %mul3A_144 = arith.constant 16 : i32
        %mul3A_145 = arith.muli %scan3A_143, %mul3A_144 : i32
        %get3A = arith.index_cast %mul3A_145 : i32 to index
        %get3A_146 = tpu.vector_load %arg21[%get3A] {strides = array<i32>} : memref<2000xf32, #tpu.memory_space<vmem>>, vector<16xf32>,
        %get3A_147 = vector.shape_cast %get3A_146 : vector<16xf32> to vector<16xf32>
        %get3A_148 = arith.index_cast %mul3A_145 : i32 to index
        %get3A_149 = tpu.vector_load %arg27[%get3A_148] {strides = array<i32>} : memref<2000xf32, #tpu.memory_space<vmem>>, vector<16xf32>,
        %get3A_150 = vector.shape_cast %get3A_149 : vector<16xf32> to vector<16xf32>
        %sub3A = arith.subf %get3A_147, %get3A_150 : vector<16xf32>
        %get3A_151 = arith.index_cast %mul3A_145 : i32 to index
        %get3A_152 = tpu.vector_load %arg23[%get3A_151] {strides = array<i32>} : memref<2000xf32, #tpu.memory_space<vmem>>, vector<16xf32>,
        %get3A_153 = vector.shape_cast %get3A_152 : vector<16xf32> to vector<16xf32>
        %get3A_154 = arith.index_cast %mul3A_145 : i32 to index
        %get3A_155 = tpu.vector_load %arg29[%get3A_154] {strides = array<i32>} : memref<2000xf32, #tpu.memory_space<vmem>>, vector<16xf32>,
        %get3A_156 = vector.shape_cast %get3A_155 : vector<16xf32> to vector<16xf32>
        %sub3A_157 = arith.subf %get3A_153, %get3A_156 : vector<16xf32>
        %get3A_158 = arith.index_cast %mul3A_145 : i32 to index
        %get3A_159 = tpu.vector_load %arg25[%get3A_158] {strides = array<i32>} : memref<2000xf32, #tpu.memory_space<vmem>>, vector<16xf32>,
        %get3A_160 = vector.shape_cast %get3A_159 : vector<16xf32> to vector<16xf32>
        %get3A_161 = arith.index_cast %mul3A_145 : i32 to index
        %get3A_162 = tpu.vector_load %arg31[%get3A_161] {strides = array<i32>} : memref<2000xf32, #tpu.memory_space<vmem>>, vector<16xf32>,
        %get3A_163 = vector.shape_cast %get3A_162 : vector<16xf32> to vector<16xf32>
        %sub3A_164 = arith.subf %get3A_160, %get3A_163 : vector<16xf32>
        %mul3A_165 = arith.mulf %sub3A, %sub3A : vector<16xf32>
        %mul3A_166 = arith.mulf %sub3A_157, %sub3A_157 : vector<16xf32>
        %add3A_167 = arith.addf %mul3A_165, %mul3A_166 : vector<16xf32>
        %mul3A_168 = arith.mulf %sub3A_164, %sub3A_164 : vector<16xf32>
        %add3A_169 = arith.addf %add3A_167, %mul3A_168 : vector<16xf32>
        %max3A = arith.constant 1.000000e-30 : f32
        %max3A_170 = vector.broadcast %max3A : f32 to vector<16xf32>
        %max3A_171 = arith.maximumf %add3A_169, %max3A_170 : vector<16xf32>
        %bitcast_convert_type3A = tpu.bitcast %max3A_171 : vector<16xf32> -> vector<16xi32>
        %shift_right_arithmetic3A = arith.constant 1 : i32
        %shift_right_arithmetic3A_172 = vector.broadcast %shift_right_arithmetic3A : i32 to vector<16xi32>
        %shift_right_arithmetic3A_173 = arith.shrsi %bitcast_convert_type3A, %shift_right_arithmetic3A_172 : vector<16xi32>
        %sub3A_174 = arith.constant 1597463007 : i32
        %sub3A_175 = vector.broadcast %sub3A_174 : i32 to vector<16xi32>
        %sub3A_176 = arith.subi %sub3A_175, %shift_right_arithmetic3A_173 : vector<16xi32>
        %bitcast_convert_type3A_177 = tpu.bitcast %sub3A_176 : vector<16xi32> -> vector<16xf32>
        %mul3A_178 = arith.constant 5.000000e-01 : f32
        %mul3A_179 = vector.broadcast %mul3A_178 : f32 to vector<16xf32>
        %mul3A_180 = arith.mulf %mul3A_179, %max3A_171 : vector<16xf32>
        %mul3A_181 = arith.mulf %mul3A_180, %bitcast_convert_type3A_177 : vector<16xf32>
        %mul3A_182 = arith.mulf %mul3A_181, %bitcast_convert_type3A_177 : vector<16xf32>
        %sub3A_183 = arith.constant 1.500000e+00 : f32
        %sub3A_184 = vector.broadcast %sub3A_183 : f32 to vector<16xf32>
        %sub3A_185 = arith.subf %sub3A_184, %mul3A_182 : vector<16xf32>
        %mul3A_186 = arith.mulf %bitcast_convert_type3A_177, %sub3A_185 : vector<16xf32>
        %mul3A_187 = arith.constant 5.000000e-01 : f32
        %mul3A_188 = vector.broadcast %mul3A_187 : f32 to vector<16xf32>
        %mul3A_189 = arith.mulf %mul3A_188, %max3A_171 : vector<16xf32>
        %mul3A_190 = arith.mulf %mul3A_189, %mul3A_186 : vector<16xf32>
        %mul3A_191 = arith.mulf %mul3A_190, %mul3A_186 : vector<16xf32>
        %sub3A_192 = arith.constant 1.500000e+00 : f32
        %sub3A_193 = vector.broadcast %sub3A_192 : f32 to vector<16xf32>
        %sub3A_194 = arith.subf %sub3A_193, %mul3A_191 : vector<16xf32>
        %mul3A_195 = arith.mulf %mul3A_186, %sub3A_194 : vector<16xf32>
        %mul3A_196 = arith.constant 5.000000e-01 : f32
        %mul3A_197 = vector.broadcast %mul3A_196 : f32 to vector<16xf32>
        %mul3A_198 = arith.mulf %mul3A_197, %max3A_171 : vector<16xf32>
        %mul3A_199 = arith.mulf %mul3A_198, %mul3A_195 : vector<16xf32>
        %mul3A_200 = arith.mulf %mul3A_199, %mul3A_195 : vector<16xf32>
        %sub3A_201 = arith.constant 1.500000e+00 : f32
        %sub3A_202 = vector.broadcast %sub3A_201 : f32 to vector<16xf32>
        %sub3A_203 = arith.subf %sub3A_202, %mul3A_200 : vector<16xf32>
        %mul3A_204 = arith.mulf %mul3A_195, %sub3A_203 : vector<16xf32>
        %mul3A_205 = arith.mulf %add3A_169, %mul3A_204 : vector<16xf32>
        %get3A_206 = arith.index_cast %mul3A_145 : i32 to index
        %get3A_207 = tpu.vector_load %arg17[%get3A_206] {strides = array<i32>} : memref<2000xf32, #tpu.memory_space<vmem>>, vector<16xf32>,
        %get3A_208 = vector.shape_cast %get3A_207 : vector<16xf32> to vector<16xf32>
        %sub3A_209 = arith.subf %mul3A_205, %get3A_208 : vector<16xf32>
        %get3A_210 = arith.index_cast %mul3A_145 : i32 to index
        %get3A_211 = tpu.vector_load %arg19[%get3A_210] {strides = array<i32>} : memref<2000xf32, #tpu.memory_space<vmem>>, vector<16xf32>,
        %get3A_212 = vector.shape_cast %get3A_211 : vector<16xf32> to vector<16xf32>
        %mul3A_213 = arith.constant 5.000000e-01 : f32
        %mul3A_214 = vector.broadcast %mul3A_213 : f32 to vector<16xf32>
        %mul3A_215 = arith.mulf %mul3A_214, %get3A_212 : vector<16xf32>
        %mul3A_216 = arith.mulf %mul3A_215, %sub3A_209 : vector<16xf32>
        %mul3A_217 = arith.mulf %mul3A_216, %sub3A_209 : vector<16xf32>
        %swap3A = arith.index_cast %mul3A_145 : i32 to index
        %swap3A_218 = tpu.vector_load %arg33[%swap3A] {strides = array<i32>} : memref<2000xf32, #tpu.memory_space<vmem>>, vector<16xf32>,
        %swap3A_219 = vector.shape_cast %swap3A_218 : vector<16xf32> to vector<16xf32>
        %swap3A_220 = vector.shape_cast %mul3A_217 : vector<16xf32> to vector<16xf32>
        tpu.vector_store %arg33[%swap3A], %swap3A_220 {strides = array<i32>} : memref<2000xf32, #tpu.memory_space<vmem>>, vector<16xf32>,
        %get3A_221 = arith.index_cast %mul3A_145 : i32 to index
        %get3A_222 = tpu.vector_load %arg11[%get3A_221] {strides = array<i32>} : memref<2000xi32, #tpu.memory_space<vmem>>, vector<16xi32>,
        %get3A_223 = vector.shape_cast %get3A_222 : vector<16xi32> to vector<16xi32>
        %swap3A_224 = arith.index_cast %mul3A_145 : i32 to index
        %swap3A_225 = tpu.vector_load %arg15[%swap3A_224] {strides = array<i32>} : memref<2000xi32, #tpu.memory_space<vmem>>, vector<16xi32>,
        %swap3A_226 = vector.shape_cast %swap3A_225 : vector<16xi32> to vector<16xi32>
        %swap3A_227 = vector.shape_cast %get3A_223 : vector<16xi32> to vector<16xi32>
        tpu.vector_store %arg15[%swap3A_224], %swap3A_227 {strides = array<i32>} : memref<2000xi32, #tpu.memory_space<vmem>>, vector<16xi32>,
      }
      %scan3A_133 = arith.constant 125 : i32
      %dma_start3A_134 = arith.constant 0 : i32
      %dma_start3A_135 = tpu.memref_slice %arg35[%dma_start3A_134] : memref<100352xf32, #tpu.memory_space<vmem_shared>> -> memref<100352xf32, #tpu.memory_space<vmem_shared>>
      tpu.enqueue_indirect_dma source(%arg33 : memref<2000xf32, #tpu.memory_space<vmem>>) target(%dma_start3A_135 : memref<100352xf32, #tpu.memory_space<vmem_shared>>) offsets(%arg15 : memref<2000xi32, #tpu.memory_space<vmem>>) semaphore(%arg41 : memref<!tpu.dma_semaphore, #tpu.memory_space<semaphore_mem>>) {add = true}
      %add3A_136 = arith.constant 1 : i32
      %add3A_137 = arith.addi %scan3A_48, %add3A_136 : i32
      %lt3A_138 = arith.constant 25 : i32
      %lt3A_139 = arith.cmpi slt, %add3A_137, %lt3A_138 : i32
      %convert_element_type3A_140 = arith.extui %lt3A_139 : i1 to i32
      %cond3A_141 = arith.constant 0 : i32
      %cond3A_142 = arith.cmpi ne, %convert_element_type3A_140, %cond3A_141 : i32
      scf.if %cond3A_142 {
        %add3A_143 = arith.constant 3 : i32
        %add3A_144 = arith.addi %mul3A_50, %add3A_143 : i32
        %mul3A_145 = arith.constant 2000 : i32
        %mul3A_146 = arith.muli %add3A_144, %mul3A_145 : i32
        %add3A_147 = arith.addi %mul3A_9, %mul3A_146 : i32
        %dma_start3A_148 = tpu.memref_slice %arg2[%add3A_147] : memref<3200000xi32, #tpu.memory_space<hbm>> -> memref<2000xi32, #tpu.memory_space<hbm>>
        %dma_start3A_149 = tpu.memref_slice %arg2[%add3A_147] : memref<3200000xi32, #tpu.memory_space<hbm>> -> memref<2000xi32, #tpu.memory_space<hbm>>
        tpu.enqueue_dma source(%dma_start3A_149 : memref<2000xi32, #tpu.memory_space<hbm>>) target(%arg11 : memref<2000xi32, #tpu.memory_space<vmem>>) target_semaphore(%arg39 : memref<!tpu.dma_semaphore, #tpu.memory_space<semaphore_mem>>)
        %dma_start3A_150 = tpu.memref_slice %arg3[%add3A_147] : memref<3200000xi32, #tpu.memory_space<hbm>> -> memref<2000xi32, #tpu.memory_space<hbm>>
        %dma_start3A_151 = tpu.memref_slice %arg3[%add3A_147] : memref<3200000xi32, #tpu.memory_space<hbm>> -> memref<2000xi32, #tpu.memory_space<hbm>>
        tpu.enqueue_dma source(%dma_start3A_151 : memref<2000xi32, #tpu.memory_space<hbm>>) target(%arg13 : memref<2000xi32, #tpu.memory_space<vmem>>) target_semaphore(%arg39 : memref<!tpu.dma_semaphore, #tpu.memory_space<semaphore_mem>>)
        %dma_start3A_152 = tpu.memref_slice %arg4[%add3A_147] : memref<3200000xf32, #tpu.memory_space<hbm>> -> memref<2000xf32, #tpu.memory_space<hbm>>
        %dma_start3A_153 = tpu.memref_slice %arg4[%add3A_147] : memref<3200000xf32, #tpu.memory_space<hbm>> -> memref<2000xf32, #tpu.memory_space<hbm>>
        tpu.enqueue_dma source(%dma_start3A_153 : memref<2000xf32, #tpu.memory_space<hbm>>) target(%arg17 : memref<2000xf32, #tpu.memory_space<vmem>>) target_semaphore(%arg39 : memref<!tpu.dma_semaphore, #tpu.memory_space<semaphore_mem>>)
        %dma_start3A_154 = tpu.memref_slice %arg5[%add3A_147] : memref<3200000xf32, #tpu.memory_space<hbm>> -> memref<2000xf32, #tpu.memory_space<hbm>>
        %dma_start3A_155 = tpu.memref_slice %arg5[%add3A_147] : memref<3200000xf32, #tpu.memory_space<hbm>> -> memref<2000xf32, #tpu.memory_space<hbm>>
        tpu.enqueue_dma source(%dma_start3A_155 : memref<2000xf32, #tpu.memory_space<hbm>>) target(%arg19 : memref<2000xf32, #tpu.memory_space<vmem>>) target_semaphore(%arg39 : memref<!tpu.dma_semaphore, #tpu.memory_space<semaphore_mem>>)
      } else {
      }
    }
    %scan3A_38 = arith.constant 25 : i32
    %dma_wait3A = arith.constant 0 : i32
    %dma_wait3A_39 = tpu.memref_slice %arg35[%dma_wait3A] : memref<100352xf32, #tpu.memory_space<vmem_shared>> -> memref<100352xf32, #tpu.memory_space<vmem_shared>>
    tpu.wait_indirect_dma semaphore(%arg41 : memref<!tpu.dma_semaphore, #tpu.memory_space<semaphore_mem>>) src(%arg32 : memref<2000xf32, #tpu.memory_space<vmem>>) dst(%dma_wait3A_39 : memref<100352xf32, #tpu.memory_space<vmem_shared>>)
    %dma_wait3A_40 = arith.constant 0 : i32
    %dma_wait3A_41 = tpu.memref_slice %arg35[%dma_wait3A_40] : memref<100352xf32, #tpu.memory_space<vmem_shared>> -> memref<100352xf32, #tpu.memory_space<vmem_shared>>
    tpu.wait_indirect_dma semaphore(%arg41 : memref<!tpu.dma_semaphore, #tpu.memory_space<semaphore_mem>>) src(%arg33 : memref<2000xf32, #tpu.memory_space<vmem>>) dst(%dma_wait3A_41 : memref<100352xf32, #tpu.memory_space<vmem_shared>>)
    %barrier3A_42 = arith.constant 0 : index
    tpu.barrier barrier_id(%barrier3A_42)
    "tpu.region"() ({
      %run_scoped3A = tpu.sem_alloc : memref<!tpu.dma_semaphore, #tpu.memory_space<semaphore_mem>>
      %dma_start3A_48 = tpu.memref_slice %arg35[%mul3A_2] : memref<100352xf32, #tpu.memory_space<vmem_shared>> -> memref<6272xf32, #tpu.memory_space<vmem_shared>>
      %dma_start3A_49 = tpu.memref_slice %arg35[%mul3A_2] : memref<100352xf32, #tpu.memory_space<vmem_shared>> -> memref<6272xf32, #tpu.memory_space<vmem_shared>>
      tpu.enqueue_dma source(%dma_start3A_49 : memref<6272xf32, #tpu.memory_space<vmem_shared>>) target(%arg34 : memref<6272xf32, #tpu.memory_space<vmem>>) target_semaphore(%run_scoped3A : memref<!tpu.dma_semaphore, #tpu.memory_space<semaphore_mem>>)
      %dma_wait3A_50 = tpu.memref_slice %arg35[%mul3A_2] : memref<100352xf32, #tpu.memory_space<vmem_shared>> -> memref<6272xf32, #tpu.memory_space<vmem_shared>>
      %dma_wait3A_51 = tpu.memref_slice %arg35[%mul3A_2] : memref<100352xf32, #tpu.memory_space<vmem_shared>> -> memref<6272xf32, #tpu.memory_space<vmem_shared>>
      tpu.wait_dma2 semaphore(%run_scoped3A : memref<!tpu.dma_semaphore, #tpu.memory_space<semaphore_mem>>) src(%dma_wait3A_51 : memref<6272xf32, #tpu.memory_space<vmem_shared>>) dst(%arg34 : memref<6272xf32, #tpu.memory_space<vmem>>)
      tpu.yield
    }) : () -> ()
    %mul3A_43 = arith.constant 100352 : i32
    %mul3A_44 = arith.muli %arg0, %mul3A_43 : i32
    %mul3A_45 = arith.constant 6272 : i32
    %mul3A_46 = arith.muli %arg1, %mul3A_45 : i32
    %add3A_47 = arith.addi %mul3A_44, %mul3A_46 : i32
    "tpu.region"() ({
      %run_scoped3A = tpu.sem_alloc : memref<!tpu.dma_semaphore, #tpu.memory_space<semaphore_mem>>
      %dma_start3A_48 = tpu.memref_slice %arg9[%add3A_47] : memref<200704xf32, #tpu.memory_space<hbm>> -> memref<6272xf32, #tpu.memory_space<hbm>>
      %dma_start3A_49 = tpu.memref_slice %arg9[%add3A_47] : memref<200704xf32, #tpu.memory_space<hbm>> -> memref<6272xf32, #tpu.memory_space<hbm>>
      tpu.enqueue_dma source(%arg34 : memref<6272xf32, #tpu.memory_space<vmem>>) target(%dma_start3A_49 : memref<6272xf32, #tpu.memory_space<hbm>>) target_semaphore(%run_scoped3A : memref<!tpu.dma_semaphore, #tpu.memory_space<semaphore_mem>>)
      %dma_wait3A_50 = tpu.memref_slice %arg9[%add3A_47] : memref<200704xf32, #tpu.memory_space<hbm>> -> memref<6272xf32, #tpu.memory_space<hbm>>
      %dma_wait3A_51 = tpu.memref_slice %arg9[%add3A_47] : memref<200704xf32, #tpu.memory_space<hbm>> -> memref<6272xf32, #tpu.memory_space<hbm>>
      tpu.wait_dma2 semaphore(%run_scoped3A : memref<!tpu.dma_semaphore, #tpu.memory_space<semaphore_mem>>) src(%arg34 : memref<6272xf32, #tpu.memory_space<vmem>>) dst(%dma_wait3A_51 : memref<6272xf32, #tpu.memory_space<hbm>>)
      tpu.yield
    }) : () -> ()
    return
  }
}

</mosaic_0001>

<sc_bundles>
// kernel: kernel.4.cloned.1.call-start
scs
__scs_entry_jumppad:
0x0: {  	(pc) =	sbr.rel $0x88, $3  }
0x1: {  	(tag) =	ssettag $0x0;
	lr =	simm.s32 $0x1  }
0x2: {  	[smem:$0x3F9D] =	sst lr;
	_ =	strace $0xD0000000  }
0x3: {  	_ = 	snop  }
0x4: {  	_ = 	snop  }
0x5: {  	_ = 	snop  }
0x6: {  	_ = 	snop  }
0x7: {  	_ = 	snop  }
__scs_overlays_trampoline_lowered:
0x8: {  	[smem:$0x3FAC] =	sst s0  }
0x9: {  	[smem:$0x3FAD] =	sst s1  }
0xa: {  	[smem:$0x3FAE] =	sst s2  }
0xb: {  	[smem:$0x3FAF] =	sst s3  }
0xc: {  	[smem:$0x3FB0] =	sst s4  }
0xd: {  	[smem:$0x3FB1] =	sst s5  }
0xe: {  	[smem:$0x3FB2] =	sst s6  }
0xf: {  	[smem:$0x3FB3] =	sst s7  }
0x10: {  	[smem:$0x3FB4] =	sst s8  }
0x11: {  	[smem:$0x3FB5] =	sst s9;
	s0 =	simm.s32 @!p0 $0x0  }
0x12: {  	s1 =	sld [smem:$0x3F9B];
	s0 =	simm.s32 @p0 $0x1  }
0x13: {  	[smem:$0x3FB6] =	sst s0;
	s0 =	simm.s32 @!p1 $0x0  }
0x14: {  	s2 =	sld [smem:$0x3F9A];
	s0 =	simm.s32 @p1 $0x1  }
0x15: {  	[smem:$0x3FB7] =	sst s0;
	s0 =	simm.s32 @!p2 $0x0  }
0x16: {  	s3 =	sld [smem:$0x3FDB];
	s0 =	simm.s32 @p2 $0x1  }
0x17: {  	s4 =	simm.s32 $0x1BF5;
	[smem:$0x3FB9] =	sst s0  }
0x18: {  	s0 =	sld [smem:$0x3F9C];
	_ =	swait.ge [sflag:s4], $0x0  }
0x19: {  	s7 =	sld [smem:$0x3F9D]  }
0x1a: {  	s8 =	sadd.s32 $0xFFFFE003, lr  }
0x1b: {  	s9 =	sadd.s32 $0xFFFFFEF7, lr;
	s5 =	simm.s32 $0xFFFFFFFF;
	p2 =	slt.u32 s8, $0xFFFFF086  }
0x1c: {  	p1 =	slt.u32 s9, $0xF7A;
	s5 =	simm.s32 @!p2 $0x0  }
0x1d: {  	s5 =	simm.s32 @p1 $0x1;
	p0 =	seq.s32 s7, s2  }
0x1e: {  	s7 =	smul.u32 @!p0 $0xF7A, s2;
	p2 =	seq.s32 @!p0 s5, $0x0  }
0x1f: {  	s9 =	smul.u32 $0xF7A, s1;
	s8 =	simm.s32 @!p0 $0x1BF5;
	p2 =	por !p2, p0  }
0x20: {  	[sflag:s8] =	ssyncset.s32 @!p0 $0xFFFFF086;
	s6 =	sadd.s32 @!p0 s3, s7;
	s7 =	simm.s32 @!p0 $0x108  }
0x21: {  	s3 =	sadd.s32 s3, s9;
	s6 =	sadd.s32 @!p0 $0x88, s6;
	s7 =	simm.s32 @p2 $0x1082  }
0x22: {  	[simem:s7], [sflag:s8] =	dma.local @!p0 [hbm:s6], $0xF7A  }
0x23: {  	s9 =	sor.u32 $0xD0000000, s2;
	s6 =	simm.s32 $0x108;
	_ =	swait.ge @!p0 [sflag:s8], $0x0  }
0x24: {  	s3 =	sadd.s32 $0x88, s3;
	s6 =	simm.s32 @!p1 $0x1082;
	[sflag:s4] =	ssyncset.s32 $0xFFFFF086  }
0x25: {  	[simem:s6], [sflag:s4] =	dma.local [hbm:s3], $0xF7A  }
0x26: {  	[smem:$0x3F9D] =	sst s1;
	(tag) =	ssettag s2;
	_ =	strace s9  }
0x27: {  	s1 =	sld [smem:$0x3FAD]  }
0x28: {  	s2 =	sld [smem:$0x3FAE]  }
0x29: {  	s4 =	sld [smem:$0x3FB0]  }
0x2a: {  	p0 =	seq.s32 s5, $0x0;
	s5 =	sld [smem:$0x3FB1]  }
0x2b: {  	s6 =	sld [smem:$0x3FB2]  }
0x2c: {  	s7 =	sld [smem:$0x3FB3]  }
0x2d: {  	s3 =	simm.s32 $0x108;
	s8 =	sld [smem:$0x3FB4]  }
0x2e: {  	s3 =	simm.s32 @!p0 $0x1082;
	s9 =	sld [smem:$0x3FB5]  }
0x2f: {  	lr =	sadd.s32 s0, s3;
	s0 =	sld [smem:$0x3FAC]  }
0x30: {  	s3 =	sld [smem:$0x3FAF]  }
0x31: {  	[smem:$0x3FB8] =	sst s10  }
0x32: {  	s10 =	sld [smem:$0x3FB6];
	_ =	sdelay $0x3  }
0x33: {  	p0 =	seq.s32 s10, $0x1;
	s10 =	sld [smem:$0x3FB8];
	_ =	sdelay $0x3  }
0x34: {  	[smem:$0x3FB8] =	sst s10  }
0x35: {  	s10 =	sld [smem:$0x3FB7];
	_ =	sdelay $0x3  }
0x36: {  	p1 =	seq.s32 s10, $0x1;
	s10 =	sld [smem:$0x3FB8];
	_ =	sdelay $0x3  }
0x37: {  	[smem:$0x3FB8] =	sst s10  }
0x38: {  	s10 =	sld [smem:$0x3FB9]  }
0x39: {  	_ = 	snop;
	(pc) =	sbr.ind lr, $3  }
0x3a: {  	_ = 	snop  }
0x3b: {  	_ = 	snop  }
0x3c: {  	p2 =	seq.s32 s10, $0x1;
	s10 =	sld [smem:$0x3FB8]  }
0x3d: {  	_ =	shalt  }
0x3e: {  	_ =	shalt  }
0x3f: {  	_ =	shalt  }
0x40: {  	_ =	shalt  }
0x41: {  	_ =	shalt  }
0x42: {  	_ =	shalt  }
0x43: {  	_ =	shalt  }
0x44: {  	_ =	shalt  }
0x45: {  	_ =	shalt  }
0x46: {  	_ =	shalt  }
0x47: {  	_ =	shalt  }
0x48: {  	_ =	shalt  }
0x49: {  	_ =	shalt  }
0x4a: {  	_ =	shalt  }
0x4b: {  	_ =	shalt  }
0x4c: {  	_ =	shalt  }
0x4d: {  	_ =	shalt  }
0x4e: {  	_ =	shalt  }
0x4f: {  	_ =	shalt  }
0x50: {  	_ =	shalt  }
0x51: {  	_ =	shalt  }
0x52: {  	_ =	shalt  }
0x53: {  	_ =	shalt  }
0x54: {  	_ =	shalt  }
0x55: {  	_ =	shalt  }
0x56: {  	_ =	shalt  }
0x57: {  	_ =	shalt  }
0x58: {  	_ =	shalt  }
0x59: {  	_ =	shalt  }
0x5a: {  	_ =	shalt  }
0x5b: {  	_ =	shalt  }
0x5c: {  	_ =	shalt  }
0x5d: {  	_ =	shalt  }
0x5e: {  	_ =	shalt  }
0x5f: {  	_ =	shalt  }
0x60: {  	_ =	shalt  }
0x61: {  	_ =	shalt  }
0x62: {  	_ =	shalt  }
0x63: {  	_ =	shalt  }
0x64: {  	_ =	shalt  }
0x65: {  	_ =	shalt  }
0x66: {  	_ =	shalt  }
0x67: {  	_ =	shalt  }
0x68: {  	_ =	shalt  }
0x69: {  	_ =	shalt  }
0x6a: {  	_ =	shalt  }
0x6b: {  	_ =	shalt  }
0x6c: {  	_ =	shalt  }
0x6d: {  	_ =	shalt  }
0x6e: {  	_ =	shalt  }
0x6f: {  	_ =	shalt  }
0x70: {  	_ =	shalt  }
0x71: {  	_ =	shalt  }
0x72: {  	_ =	shalt  }
0x73: {  	_ =	shalt  }
0x74: {  	_ =	shalt  }
0x75: {  	_ =	shalt  }
0x76: {  	_ =	shalt  }
0x77: {  	_ =	shalt  }
0x78: {  	_ =	shalt  }
0x79: {  	_ =	shalt  }
0x7a: {  	_ =	shalt  }
0x7b: {  	_ =	shalt  }
0x7c: {  	_ =	shalt  }
0x7d: {  	_ =	shalt  }
0x7e: {  	_ =	shalt  }
0x7f: {  	_ =	shalt  }
0x80: {  	_ =	shalt  }
0x81: {  	_ =	shalt  }
0x82: {  	_ =	shalt  }
0x83: {  	_ =	shalt  }
0x84: {  	_ =	shalt  }
0x85: {  	_ =	shalt  }
0x86: {  	_ =	shalt  }
0x87: {  	_ =	shalt  }
.Lfunc_end0:
.L_simem_size_0:
called_computation_lowered:
.L_overlay_start_0:
0x88: {  	s2 =	sld [smem:$0x3FD9]  }
0x89: {  	s3 =	sld [smem:$0x3FFE];
	_ =	sdelay $0x1  }
0x8a: {  	s1 =	srdreg.scid  }
0x8b: {  	s0 =	sand.u32 $0x1, s1  }
0x8c: {  	s17 =	sshll.u32 s0, $0xA;
	s2 =	sadd.s32 s3, s2  }
0x8d: {  	s2 =	sadd.s32 s2, s17  }
0x8e: {  	[smem:$0x3FC4] =	sst s2  }
0x8f: {  	_ = 	snop  }
0x90: {  	s2 =	sld [smem:$0x3FC7]  }
0x91: {  	s18 =	sld [smem:$0x3FC6];
	(tm) =	ssettm $0x1  }
0x92: {  	s4 =	sld [smem:$0x3FFB];
	_ =	sdelay $0x3  }
0x93: {  	_ =	strace s4  }
0x94: {  	s4 =	sld [smem:$0x3FFC];
	_ =	sdelay $0x3  }
0x95: {  	_ =	strace s4  }
0x96: {  	s4 =	sld [smem:$0x3FFD];
	_ =	sdelay $0x3  }
0x97: {  	_ =	strace s4  }
0x98: {  	_ =	strace $0x8FFFFFFF  }
0x99: {  	s19 =	sld [smem:$0x3FDB];
	_ =	sdelay $0x1  }
0x9a: {  	s5 =	simm.s32 $_scs_section_size  }
0x9b: {  	s6 =	simm.s32 $_size__tile_overlayer_lowered;
	s7 =	simm.s32 $_tile_overlayer_lowered  }
0x9c: {  	s22 =	simm.s32 $0x1BFF;
	s21 =	sshll.u32 s7, $0x1;
	s4 =	sadd.s32 s5, s19  }
0x9d: {  	s8 =	simm.s32 $0x0;
	s20 =	sshll.u32 s6, $0x1;
	s6 =	sadd.s32 s21, s4  }
0x9e: {  	[timem:s8], [sflag:s22] =	dma.local [hbm:s6], s20  }
0x9f: {  	_ =	swait.ge [sflag:s22], s20  }
0xa0: {  	s5 =	ssub.s32 $0x0, s20;
	[sflag:s22] =	ssyncset.done $0x0  }
0xa1: {  	[sflag:s22] =	ssyncadd.s32 s5;
	_ =	sdelay $0x1  }
0xa2: {  	s23 =	simm.s32 $0x1B8B  }
0xa3: {  	_ =	swait.ge [sflag:s23], $0x1  }
0xa4: {  	[sflag:s23] =	ssyncset.done $0x0  }
0xa5: {  	s25 =	simm.s32 $0x1B8E;
	s24 =	sld [smem:$0x3FFE];
	[sflag:s23] =	ssyncadd.s32 $0xFFFFFFFF  }
0xa6: {  	s26 =	simm.s32 $execute0_lowered;
	[smem:$0x3FD2] =	sst s25  }
0xa7: {  	s6 =	sshll.u32 s26, $0x1;
	_ =	strace $0x80000046;
	[dreg:$0x1] =	wrdreg $0xFFFFFFFF  }
0xa8: {  	s28 =	simm.s32 $_size_execute0_lowered;
	s4 =	sadd.s32 s4, s6;
	[dreg:$0x0] =	wrdreg $0x0  }
0xa9: {  	s6 =	sshll.u32 s28, $0x1;
	[dreg:$0x2] =	wrdreg s4  }
0xaa: {  	[dreg:$0x3] =	wrdreg s6  }
0xab: {  	[dreg:$0x4] =	wrdreg $0xC0  }
0xac: {  	_ =	task [dreg:s8], $0x5FFFF  }
0xad: {  	[dreg:$0x1] =	wrdreg $0xFFFFFFFF  }
0xae: {  	[dreg:$0x0] =	wrdreg $0x60  }
0xaf: {  	[dreg:$0x2] =	wrdreg s24  }
0xb0: {  	[dreg:$0x3] =	wrdreg s2  }
0xb1: {  	[dreg:$0x4] =	wrdreg s18  }
0xb2: {  	[dreg:$0x5] =	wrdreg $0xD8800  }
0xb3: {  	[dreg:$0x6] =	wrdreg $0xF1000  }
0xb4: {  	[dreg:$0x7] =	wrdreg $0x109800  }
0xb5: {  	[dreg:$0x8] =	wrdreg $0x122000  }
0xb6: {  	[dreg:$0x9] =	wrdreg $0x9  }
0xb7: {  	_ =	task.clear_ibuf [dreg:s8], $0xAFFFF;
	_ =	strace $0x90000046  }
0xb8: {  	s29 =	simm.s32 $0x9;
	_ =	strace $0x80000048  }
0xb9: {  	_ =	swait.ge [sflag:s29], $0x1  }
0xba: {  	[sflag:s29] =	ssyncadd.s32 $0xFFFFFFFF  }
0xbb: {  	_ =	strace $0x90000048  }
0xbc: {  	_ =	sfence  }
0xbd: {  	s30 =	sld [smem:$0x0];
	_ =	sdelay $0x2  }
0xbe: {  	s31 =	sshll.u32 s1, $0xD;
	s1 =	sshrl.u32 s1, $0x2  }
0xbf: {  	s3 =	sand.u32 $0x4000, s31;
	s1 =	sadd.s32 s1, s30  }
0xc0: {  	s0 =	sor.u32 s3, s0;
	s1 =	sshll.u32 s1, $0x11  }
0xc1: {  	s0 =	sor.u32 s1, s0  }
0xc2: {  	s0 =	sadd.s32 $0x8F2B, s0  }
0xc3: {  	[sflag:s0] =	ssyncadd.remote.s32 $0x1  }
0xc4: {  	_ =	sfence.sel $0xFFFF  }
0xc5: {  	[dreg:$0x0] =	wrdreg $0xFFFFFFFF;
	(pc) =	sbr.abs _section_cstart, $3  }
0xc6: {  	[dreg:$0x1] =	wrdreg $0xFFFFFFFF  }
0xc7: {  	_ =	task.clear_ibuf [dreg:s8], $0x2FFFF;
	_ =	strace $0x9FFFFFFF  }
0xc8: {  	(tm) =	ssettm $0x7FFFFFFF  }
0xc9: {  	_ =	shalt  }
tec
execute0_lowered:
.L_overlay_start_1:
0x0: {  	(tag) =	ssettag $0x1  }
0x1: {  	s0 =	rddreg [dreg:$0x0]  }
0x2: {  	s1 =	rddreg [dreg:$0x1]  }
0x3: {  	s2 =	rddreg [dreg:$0x2]  }
0x4: {  	s3 =	rddreg [dreg:$0x3]  }
0x5: {  	s4 =	rddreg [dreg:$0x4]  }
0x6: {  	s6 =	rddreg [dreg:$0x5]  }
0x7: {  	s7 =	rddreg [dreg:$0x6]  }
0x8: {  	s5 =	srdreg.scid;
	s14 =	stileid.u32;
	s9 =	simm.s32 $0x0  }
0x9: {  	s28 =	simm.s32 $0x2800;
	s29 =	simm.s32 $0xB800;
	s30 =	simm.s32 $0x3  }
0xa: {  	s5 =	sand.u32 $0x1, s5;
	s8 =	smul.u32 $0x1880, s14;
	[smem:$0x7FF] =	sst s9  }
0xb: {  	s9 =	sadd.s32 $0x6B200, s0;
	s10 =	sadd.s32 $0x9600, s0;
	s11 =	smul.u32 $0x18800, s5  }
0xc: {  	_ =	strace $0x80000047;
	s12 =	ssub.s32 $0x2, s5;
	s5 =	sshll.u32 s5, $0x4  }
0xd: {  	s13 =	sshrl.u32 s12, $0x1;
	s5 =	sor.u32 s14, s5;
	s22 =	sshrl.u32 s8, $0x3  }
0xe: {  	s17 =	sadd.s32 s8, s3;
	s23 =	sadd.s32 s8, s4;
	s24 =	sadd.s32 s8, s6  }
0xf: {  	s25 =	sadd.s32 s8, s7;
	s11 =	sadd.s32 s8, s11;
	[dreg:$0xa] =	wrdreg s23  }
0x10: {  	s12 =	ssub.s32 s12, s13;
	s5 =	smul.u32 $0x186A0, s5;
	[dreg:$0xb] =	wrdreg s24  }
0x11: {  	s13 =	sadd.s32 s0, s22;
	[dreg:$0xc] =	wrdreg s25;
	s8 =	simm.s32 $0x7D0  }
0x12: {  	[dreg:$0x8] =	wrdreg s17;
	s11 =	sshrl.u32 s11, $0x3;
	s23 =	smax.u32 s12, $0x1  }
0x13: {  	[dreg:$0x9] =	wrdreg s13;
	s12 =	simm.s32 $0xC000;
	s26 =	sshrl.u32 s5, $0x3  }
0x14: {  	s11 =	sadd.s32 s11, s0;
	[dreg:$0x16] =	wrdreg s23;
	s31 =	sadd.s32 s9, s26  }
0x15: {  	s24 =	sadd.s32 $0xFA0, s5;
	s14 =	sadd.s32 s10, s26;
	[dreg:$0xd] =	wrdreg s31  }
0x16: {  	s25 =	sadd.s32 $0x1770, s5;
	s16 =	sadd.s32 s1, s26;
	[dreg:$0xe] =	wrdreg s14  }
0x17: {  	s23 =	simm.s32 $0x2000;
	s0 =	sadd.s32 s2, s26;
	[dreg:$0xf] =	wrdreg s16  }
0x18: {  	s15 =	sadd.s32 $0xFA, s26;
	s22 =	sadd.s32 $0xCCE00, s11;
	[dreg:$0x10] =	wrdreg s0  }
0x19: {  	s26 =	sadd.s32 $0x6400, s13;
	s11 =	simm.s32 $0x0;
	[dreg:$0x15] =	wrdreg s22  }
0x1a: {  	s18 =	sadd.s32 s9, s15;
	s19 =	sadd.s32 s10, s15;
	[dreg:$0x17] =	wrdreg s26  }
0x1b: {  	s20 =	sadd.s32 s1, s15;
	s21 =	sadd.s32 s2, s15;
	[dreg:$0x11] =	wrdreg s18  }
0x1c: {  	s31 =	sadd.s32 $0x3200, s13;
	s0 =	simm.s32 $0x4;
	[dreg:$0x12] =	wrdreg s19  }
0x1d: {  	s13 =	simm.s32 $0x800;
	s14 =	simm.s32 $0x1800;
	[dreg:$0x13] =	wrdreg s20  }
0x1e: {  	s15 =	simm.s32 $0x2;
	s16 =	simm.s32 $0x1;
	[dreg:$0x14] =	wrdreg s21  }
0x1f: {  	v0 =	vimm.f32 $0.0e+00;
	s22 =	simm.s32 $0xA800;
	s26 =	simm.s32 $0xB000;
	[dreg:$0x18] =	wrdreg s31  }
.LBB2_1:
0x20: {  	[dreg:$0x19] =	wrdreg s11;
	s5 =	simm.s32 $0x40;
	s11 =	simm.s32 $0x0  }
.LBB2_2:
0x21: {  	p0 =	sne.s32 s5, $0x61C0;
	[tilespmem:s11+$0xC000] =	vst v0;
	s11 =	smov.u32 s5;
	s5 =	sadd.s32 $0x40, s5  }
.Ltmp0:
0x22: {  	(pc) =	sbr.rel @p0 .LBB2_2-.Ltmp0, $2  }
0x23: {  	_ =	sdelay $0x2  }
0x24: {  	s11 =	sshra.s32 s11, $0x2  }
0x25: {  	[tilespmem:s11+$0xC000] =	vst v0  }
0x26: {  	[spmem:s17] =	stream.linear.scatter [tilespmem:s12], [sflag:$0x4], $0x1880, $0x38;
	[tilespmem:$0x13A80] =	vst v63  }
0x27: {  	_ =	swait.ge [sflag:s0], $0x1880  }
0x28: {  	[sflag:s0] =	ssyncset.done $0x0  }
0x29: {  	s11 =	simm.s32 $0x0;
	s5 =	rddreg [dreg:$0x17];
	[sflag:s0] =	ssyncadd.s32 $0xFFFFE780  }
0x2a: {  	[tilespmem:s12], [sflag:$0x4] =	stream.linear.gather [hbm4b:s5+s11], $0x1880, $0x38;
	[tilespmem:$0x13A80] =	vst v63  }
0x2b: {  	_ =	swait.ge [sflag:s0], $0x1880  }
0x2c: {  	[sflag:s0] =	ssyncset.done $0x0  }
0x2d: {  	s18 =	rddreg [dreg:$0xa];
	[sflag:s0] =	ssyncadd.s32 $0xFFFFE780  }
0x2e: {  	[spmem:s18] =	stream.linear.scatter [tilespmem:s12], [sflag:$0x4], $0x1880, $0x38;
	[tilespmem:$0x13A80] =	vst v63  }
0x2f: {  	_ =	swait.ge [sflag:s0], $0x1880  }
0x30: {  	[sflag:s0] =	ssyncset.done $0x0  }
0x31: {  	s19 =	rddreg [dreg:$0x18];
	[sflag:s0] =	ssyncadd.s32 $0xFFFFE780  }
0x32: {  	[tilespmem:s12], [sflag:$0x4] =	stream.linear.gather [hbm4b:s19+s11], $0x1880, $0x38;
	[tilespmem:$0x13A80] =	vst v63  }
0x33: {  	_ =	swait.ge [sflag:s0], $0x1880  }
0x34: {  	[sflag:s0] =	ssyncset.done $0x0  }
0x35: {  	s20 =	rddreg [dreg:$0xb];
	[sflag:s0] =	ssyncadd.s32 $0xFFFFE780  }
0x36: {  	[spmem:s20] =	stream.linear.scatter [tilespmem:s12], [sflag:$0x4], $0x1880, $0x38;
	[tilespmem:$0x13A80] =	vst v63  }
0x37: {  	_ =	swait.ge [sflag:s0], $0x1880  }
0x38: {  	[sflag:s0] =	ssyncset.done $0x0  }
0x39: {  	s21 =	rddreg [dreg:$0x9];
	[sflag:s0] =	ssyncadd.s32 $0xFFFFE780  }
0x3a: {  	[tilespmem:s12], [sflag:$0x4] =	stream.linear.gather [hbm4b:s21+s11], $0x1880, $0x38;
	[tilespmem:$0x13A80] =	vst v63  }
0x3b: {  	_ =	swait.ge [sflag:s0], $0x1880  }
0x3c: {  	[sflag:s0] =	ssyncset.done $0x0  }
0x3d: {  	s31 =	rddreg [dreg:$0xc];
	[sflag:s0] =	ssyncadd.s32 $0xFFFFE780  }
0x3e: {  	[spmem:s31] =	stream.linear.scatter [tilespmem:s12], [sflag:$0x4], $0x1880, $0x38;
	[tilespmem:$0x13A80] =	vst v63  }
0x3f: {  	_ =	swait.ge [sflag:s0], $0x1880  }
0x40: {  	[sflag:s0] =	ssyncset.done $0x0  }
0x41: {  	[sflag:s0] =	ssyncadd.s32 $0xFFFFE780  }
0x42: {  	[bflag:$0x0] =	sbarrier.arrive $0xFFFF  }
0x43: {  	s17 =	rddreg [dreg:$0xd]  }
0x44: {  	[tilespmem:s11], [sflag:$0x4] =	stream.linear.gather [hbm4b:s17+s11], $0x7D0, $0x38;
	[tilespmem:$0x13A80] =	vst v63  }
0x45: {  	_ =	swait.ge [sflag:s0], $0x7D0  }
0x46: {  	[sflag:s0] =	ssyncset.done $0x0  }
0x47: {  	s12 =	simm.s32 $0x1000;
	s18 =	rddreg [dreg:$0xe];
	[sflag:s0] =	ssyncadd.s32 $0xFFFFF830  }
0x48: {  	[tilespmem:s12], [sflag:$0x4] =	stream.linear.gather [hbm4b:s18+s11], $0x7D0, $0x38;
	[tilespmem:$0x13A80] =	vst v63  }
0x49: {  	_ =	swait.ge [sflag:s0], $0x7D0  }
0x4a: {  	[sflag:s0] =	ssyncset.done $0x0  }
0x4b: {  	s20 =	simm.s32 $0x3000;
	s19 =	rddreg [dreg:$0xf];
	[sflag:s0] =	ssyncadd.s32 $0xFFFFF830  }
0x4c: {  	[tilespmem:s20], [sflag:$0x4] =	stream.linear.gather [hbm4b:s19+s11], $0x7D0, $0x38;
	[tilespmem:$0x13A80] =	vst v63  }
0x4d: {  	_ =	swait.ge [sflag:s0], $0x7D0  }
0x4e: {  	[sflag:s0] =	ssyncset.done $0x0  }
0x4f: {  	s31 =	simm.s32 $0x4000;
	s21 =	rddreg [dreg:$0x10];
	[sflag:s0] =	ssyncadd.s32 $0xFFFFF830  }
0x50: {  	[tilespmem:s31], [sflag:$0x4] =	stream.linear.gather [hbm4b:s21+s11], $0x7D0, $0x38;
	[tilespmem:$0x13A80] =	vst v63  }
0x51: {  	_ =	swait.ge [sflag:s0], $0x7D0  }
0x52: {  	[sflag:s0] =	ssyncset.done $0x0  }
0x53: {  	s17 =	simm.s32 $0x5000;
	[sflag:s0] =	ssyncadd.s32 $0xFFFFF830  }
0x54: {  	[tilespmem:s17], [sflag:$0x2] =	stream.indirect.gather [spmem:s4], $0x1, s11, s8, $0xb8;
	[tilespmem:$0x13A80] =	vst v63  }
0x55: {  	s18 =	simm.s32 $0x6000  }
0x56: {  	[tilespmem:s18], [sflag:$0x2] =	stream.indirect.gather [spmem:s6], $0x1, s11, s8, $0xb8;
	[tilespmem:$0x13A80] =	vst v63  }
0x57: {  	s19 =	simm.s32 $0x7000  }
0x58: {  	[tilespmem:s19], [sflag:$0x2] =	stream.indirect.gather [spmem:s7], $0x1, s11, s8, $0xb8;
	[tilespmem:$0x13A80] =	vst v63  }
0x59: {  	s20 =	simm.s32 $0x8000  }
0x5a: {  	[tilespmem:s20], [sflag:$0x2] =	stream.indirect.gather [spmem:s4], $0x1, s12, s8, $0xb8;
	[tilespmem:$0x13A80] =	vst v63  }
0x5b: {  	s21 =	simm.s32 $0x9000  }
0x5c: {  	[tilespmem:s21], [sflag:$0x2] =	stream.indirect.gather [spmem:s6], $0x1, s12, s8, $0xb8;
	[tilespmem:$0x13A80] =	vst v63  }
0x5d: {  	s31 =	simm.s32 $0xA000  }
0x5e: {  	[tilespmem:s31], [sflag:$0x2] =	stream.indirect.gather [spmem:s7], $0x1, s12, s8, $0xb8;
	[tilespmem:$0x13A80] =	vst v63  }
0x5f: {  	s17 =	rddreg [dreg:$0x11]  }
0x60: {  	[tilespmem:s13], [sflag:$0x1] =	stream.linear.gather [hbm4b:s17+s11], $0x7D0, $0x38;
	[tilespmem:$0x13A80] =	vst v63  }
0x61: {  	s18 =	rddreg [dreg:$0x12]  }
0x62: {  	[tilespmem:s14], [sflag:$0x1] =	stream.linear.gather [hbm4b:s18+s11], $0x7D0, $0x38;
	[tilespmem:$0x13A80] =	vst v63  }
0x63: {  	s19 =	rddreg [dreg:$0x13];
	s20 =	simm.s32 $0x3800  }
0x64: {  	[tilespmem:s20], [sflag:$0x1] =	stream.linear.gather [hbm4b:s19+s11], $0x7D0, $0x38;
	[tilespmem:$0x13A80] =	vst v63  }
0x65: {  	s21 =	rddreg [dreg:$0x14];
	s31 =	simm.s32 $0x4800  }
0x66: {  	[tilespmem:s31], [sflag:$0x1] =	stream.linear.gather [hbm4b:s21+s11], $0x7D0, $0x38;
	[tilespmem:$0x13A80] =	vst v63  }
.LBB2_4:
0x67: {  	_ =	swait.ge [sflag:s15], $0x7D0  }
0x68: {  	[sflag:s15] =	ssyncset.done $0x0  }
0x69: {  	[sflag:s15] =	ssyncadd.s32 $0xFFFFF830  }
0x6a: {  	_ =	swait.ge [sflag:s15], $0x7D0  }
0x6b: {  	[sflag:s15] =	ssyncset.done $0x0  }
0x6c: {  	[sflag:s15] =	ssyncadd.s32 $0xFFFFF830  }
0x6d: {  	_ =	swait.ge [sflag:s15], $0x7D0  }
0x6e: {  	[sflag:s15] =	ssyncset.done $0x0  }
0x6f: {  	[sflag:s15] =	ssyncadd.s32 $0xFFFFF830  }
0x70: {  	_ =	swait.ge [sflag:s15], $0x7D0  }
0x71: {  	[sflag:s15] =	ssyncset.done $0x0  }
0x72: {  	[sflag:s15] =	ssyncadd.s32 $0xFFFFF830  }
0x73: {  	_ =	swait.ge [sflag:s15], $0x7D0  }
0x74: {  	[sflag:s15] =	ssyncset.done $0x0  }
0x75: {  	[sflag:s15] =	ssyncadd.s32 $0xFFFFF830  }
0x76: {  	_ =	swait.ge [sflag:s15], $0x7D0  }
0x77: {  	[sflag:s15] =	ssyncset.done $0x0  }
0x78: {  	[sflag:s15] =	ssyncadd.s32 $0xFFFFF830  }
0x79: {  	_ =	swait.ge [sflag:s16], $0x7D0  }
0x7a: {  	[sflag:s16] =	ssyncset.done $0x0  }
0x7b: {  	[sflag:s16] =	ssyncadd.s32 $0xFFFFF830  }
0x7c: {  	_ =	swait.ge [sflag:s16], $0x7D0  }
0x7d: {  	[sflag:s16] =	ssyncset.done $0x0  }
0x7e: {  	[sflag:s16] =	ssyncadd.s32 $0xFFFFF830  }
0x7f: {  	_ =	swait.ge [sflag:s16], $0x7D0  }
0x80: {  	[sflag:s16] =	ssyncset.done $0x0  }
0x81: {  	[sflag:s16] =	ssyncadd.s32 $0xFFFFF830  }
0x82: {  	_ =	swait.ge [sflag:s16], $0x7D0  }
0x83: {  	[sflag:s16] =	ssyncset.done $0x0  }
0x84: {  	s5 =	simm.s32 $0x5800;
	[sflag:s16] =	ssyncadd.s32 $0xFFFFF830  }
0x85: {  	[tilespmem:s5], [sflag:$0x2] =	stream.indirect.gather [spmem:s4], $0x1, s13, s8, $0xb8;
	[tilespmem:$0x13A80] =	vst v63  }
0x86: {  	s18 =	simm.s32 $0x6800  }
0x87: {  	[tilespmem:s18], [sflag:$0x2] =	stream.indirect.gather [spmem:s6], $0x1, s13, s8, $0xb8;
	[tilespmem:$0x13A80] =	vst v63  }
0x88: {  	s19 =	simm.s32 $0x7800  }
0x89: {  	[tilespmem:s19], [sflag:$0x2] =	stream.indirect.gather [spmem:s7], $0x1, s13, s8, $0xb8;
	[tilespmem:$0x13A80] =	vst v63  }
0x8a: {  	s20 =	simm.s32 $0x8800  }
0x8b: {  	[tilespmem:s20], [sflag:$0x2] =	stream.indirect.gather [spmem:s4], $0x1, s14, s8, $0xb8;
	[tilespmem:$0x13A80] =	vst v63  }
0x8c: {  	s21 =	simm.s32 $0x9800;
	p0 =	seq.s32 s11, $0x0  }
0x8d: {  	[tilespmem:s21], [sflag:$0x2] =	stream.indirect.gather [spmem:s6], $0x1, s14, s8, $0xb8;
	[tilespmem:$0x13A80] =	vst v63  }
0x8e: {  	s5 =	simm.s32 @!p0 $0x3  }
0x8f: {  	[tilespmem:s22], [sflag:$0x2] =	stream.indirect.gather [spmem:s7], $0x1, s14, s8, $0xb8;
	[tilespmem:$0x13A80] =	vst v63  }
0x90: {  	_ =	swait.ge @!p0 [sflag:s5], $0x7D0  }
0x91: {  	[sflag:s5] =	ssyncset.done @!p0 $0x0  }
0x92: {  	s17 =	simm.s32 $0x0;
	[sflag:s5] =	ssyncadd.s32 @!p0 $0xFFFFF830  }
0x93: {  	v1 =	vld [tilespmem:s17+$0x5000]  }
0x94: {  	v2 =	vld [tilespmem:s17+$0x8000]  }
0x95: {  	v3 =	vld [tilespmem:s17+$0x6000]  }
0x96: {  	v4 =	vld [tilespmem:s17+$0x9000]  }
0x97: {  	v5 =	vld [tilespmem:s17+$0x0]  }
0x98: {  	v6 =	vld [tilespmem:s17+$0x7000]  }
0x99: {  	v7 =	vld [tilespmem:s17+$0xA000];
	_ =	sdelay $0x2  }
0x9a: {  	s5 =	simm.s32 $0x10;
	v1 =	vsub.f32 v1, v2;
	v2 =	vsub.f32 v3, v4  }
0x9b: {  	v3 =	vld [tilespmem:s5+$0x5000];
	[tilespmem:s17+$0x2000] =	vst v5  }
0x9c: {  	v5 =	vsub.f32 v6, v7;
	v4 =	vld [tilespmem:s5+$0x8000];
	v1 =	vmul.f32 v1, v1;
	v2 =	vmul.f32 v2, v2  }
0x9d: {  	v6 =	vld [tilespmem:s5+$0x6000]  }
0x9e: {  	v7 =	vld [tilespmem:s5+$0x0];
	v5 =	vmul.f32 v5, v5;
	v1 =	vadd.f32 v2, v1  }
0x9f: {  	v8 =	vld [tilespmem:s5+$0x9000]  }
0xa0: {  	v9 =	vld [tilespmem:s5+$0x7000];
	v2 =	vadd.f32 v5, v1  }
0xa1: {  	v1 =	vld [tilespmem:s5+$0xA000]  }
0xa2: {  	s12 =	simm.s32 $0x20;
	v5 =	vmax.f32 v2, $1.000000000e-30  }
0xa3: {  	v10 =	vld [tilespmem:s12+$0x5000];
	[tilespmem:s5+$0x2000] =	vst v7;
	v7 =	vshra.s32 v5, $0x1;
	v5 =	vmul.f32 $5.000000000e-01, v5  }
0xa4: {  	v3 =	vsub.f32 v3, v4;
	v4 =	vsub.f32 v6, v8;
	v6 =	vld [tilespmem:s12+$0x8000];
	v7 =	vsub.s32 $0x5F3759DF, v7  }
0xa5: {  	v8 =	vld [tilespmem:s12+$0x6000];
	v11 =	vmul.f32 v7, v5  }
0xa6: {  	v12 =	vld [tilespmem:s12+$0x0];
	v3 =	vmul.f32 v3, v3;
	v4 =	vmul.f32 v4, v4;
	v1 =	vsub.f32 v9, v1  }
0xa7: {  	v9 =	vld [tilespmem:s12+$0x9000];
	v11 =	vmul.f32 v7, v11  }
0xa8: {  	v3 =	vadd.f32 v4, v3;
	v1 =	vmul.f32 v1, v1  }
0xa9: {  	v13 =	vld [tilespmem:s12+$0x7000];
	v4 =	vsub.f32 $1.500000000e+00, v11  }
0xaa: {  	v11 =	vld [tilespmem:s12+$0xA000];
	v1 =	vadd.f32 v1, v3  }
0xab: {  	s18 =	simm.s32 $0x30;
	v7 =	vmul.f32 v7, v4  }
0xac: {  	v6 =	vsub.f32 v10, v6;
	v3 =	vsub.f32 v8, v9;
	v8 =	vld [tilespmem:s18+$0x5000];
	[tilespmem:s12+$0x2000] =	vst v12;
	v4 =	vmax.f32 v1, $1.000000000e-30  }
0xad: {  	v12 =	vld [tilespmem:s18+$0x8000];
	v9 =	vshra.s32 v4, $0x1;
	v4 =	vmul.f32 $5.000000000e-01, v4;
	v10 =	vmul.f32 v7, v5  }
0xae: {  	v6 =	vmul.f32 v6, v6;
	v15 =	vld [tilespmem:s18+$0x9000];
	v3 =	vmul.f32 v3, v3;
	v9 =	vsub.s32 $0x5F3759DF, v9  }
0xaf: {  	v11 =	vsub.f32 v13, v11;
	v13 =	vld [tilespmem:s18+$0x6000];
	v14 =	vmul.f32 v9, v4;
	v10 =	vmul.f32 v10, v7  }
0xb0: {  	v3 =	vadd.f32 v3, v6  }
0xb1: {  	v16 =	vld [tilespmem:s18+$0x0];
	v11 =	vmul.f32 v11, v11;
	v14 =	vmul.f32 v9, v14;
	v6 =	vsub.f32 $1.500000000e+00, v10  }
0xb2: {  	v17 =	vld [tilespmem:s18+$0xA000]  }
0xb3: {  	v10 =	vld [tilespmem:s18+$0x7000];
	v14 =	vsub.f32 $1.500000000e+00, v14;
	v3 =	vadd.f32 v11, v3;
	v18 =	vmul.f32 v6, v7  }
0xb4: {  	v7 =	vsub.f32 v8, v12;
	v12 =	vsub.f32 v13, v15  }
0xb5: {  	s31 =	simm.s32 $0x40;
	v20 =	vld [tilespmem:s17+$0x4000];
	v6 =	vmul.f32 v9, v14;
	v8 =	vmax.f32 v3, $1.000000000e-30;
	v9 =	vmul.f32 v18, v5  }
0xb6: {  	v19 =	vld [tilespmem:s31+$0x5000];
	[tilespmem:s18+$0x2000] =	vst v16;
	v11 =	vshra.s32 v8, $0x1;
	v5 =	vmul.f32 $5.000000000e-01, v8;
	v15 =	vmul.f32 v7, v7  }
0xb7: {  	v21 =	vld [tilespmem:s31+$0x8000];
	v13 =	vmul.f32 v6, v4;
	v8 =	vsub.s32 $0x5F3759DF, v11;
	v9 =	vmul.f32 v9, v18  }
0xb8: {  	v16 =	vmul.f32 v12, v12;
	v12 =	vld [tilespmem:s31+$0x9000];
	v7 =	vsub.f32 v10, v17;
	v10 =	vmul.f32 v8, v5  }
0xb9: {  	v11 =	vld [tilespmem:s31+$0x6000];
	v13 =	vmul.f32 v13, v6;
	v22 =	vsub.f32 $1.500000000e+00, v9  }
0xba: {  	v17 =	vadd.f32 v16, v15;
	v10 =	vmul.f32 v8, v10;
	v9 =	vld [tilespmem:s17+$0x3000]  }
0xbb: {  	v14 =	vmul.f32 v7, v7;
	v7 =	vld [tilespmem:s31+$0x0];
	v16 =	vsub.f32 $1.500000000e+00, v13;
	v15 =	vmul.f32 v22, v18  }
0xbc: {  	s19 =	simm.s32 $0x140;
	v13 =	vld [tilespmem:s31+$0x7000];
	v18 =	vsub.f32 v19, v21;
	v19 =	vsub.f32 $1.500000000e+00, v10;
	v10 =	vmul.f32 $5.000000000e-01, v20  }
.LBB2_5:
0xbd: {  	p0 =	sne.s32 s19, $0x1F00;
	v20 =	vld [tilespmem:s31+$0xA000];
	v14 =	vadd.f32 v14, v17;
	v21 =	vmul.f32 v16, v6;
	v15 =	vmul.f32 v15, v2;
	v2 =	vmovc v1  }
0xbe: {  	v1 =	vmovc v3;
	v12 =	vsub.f32 v11, v12;
	v16 =	vmul.f32 v18, v18;
	v6 =	vmul.f32 v8, v19  }
0xbf: {  	s20 =	sshra.s32 s19, $0x2;
	v8 =	vmax.f32 v14, $1.000000000e-30;
	v11 =	vmul.f32 v21, v4;
	v22 =	vld [tilespmem:s5+$0x4000];
	v9 =	vsub.f32 v15, v9;
	v3 =	vmovc v14;
	v4 =	vmovc v5  }
0xc0: {  	v18 =	vld [tilespmem:s20+$0x5000];
	[tilespmem:s31+$0x2000] =	vst v7;
	v7 =	vshra.s32 v8, $0x1;
	v5 =	vmul.f32 $5.000000000e-01, v8;
	v14 =	vmul.f32 v6, v4  }
0xc1: {  	v19 =	vld [tilespmem:s20+$0x8000];
	v8 =	vsub.s32 $0x5F3759DF, v7;
	v7 =	vmul.f32 v11, v21;
	v10 =	vmul.f32 v9, v10  }
.Ltmp1:
0xc2: {  	v15 =	vmul.f32 v12, v12;
	v11 =	vld [tilespmem:s20+$0x6000];
	v13 =	vsub.f32 v13, v20;
	v17 =	vmul.f32 v8, v5;
	(pc) =	sbr.rel @p0 .LBB2_5-.Ltmp1, $4  }
0xc3: {  	v20 =	vmul.f32 v14, v6;
	v12 =	vld [tilespmem:s20+$0x9000];
	v23 =	vsub.f32 $1.500000000e+00, v7;
	v10 =	vmul.f32 v10, v9  }
0xc4: {  	v14 =	vmul.f32 v13, v13;
	v24 =	vmul.f32 v8, v17;
	v9 =	vld [tilespmem:s5+$0x3000]  }
0xc5: {  	v17 =	vadd.f32 v15, v16;
	v16 =	vsub.f32 $1.500000000e+00, v20;
	v7 =	vld [tilespmem:s20+$0x0];
	v15 =	vmul.f32 v23, v21;
	[tilespmem:s17+$0xB000] =	vst v10;
	s17 =	smov.u32 s5;
	s5 =	smov.u32 s12;
	s12 =	smov.u32 s18  }
0xc6: {  	s19 =	sadd.s32 $0x40, s19;
	v10 =	vmul.f32 $5.000000000e-01, v22;
	s18 =	smov.u32 s31;
	s31 =	smov.u32 s20;
	v18 =	vsub.f32 v18, v19;
	v13 =	vld [tilespmem:s20+$0x7000];
	v19 =	vsub.f32 $1.500000000e+00, v24  }
0xc7: {  	v20 =	vld [tilespmem:s31+$0xA000];
	_ =	sdelay $0x2  }
0xc8: {  	v11 =	vsub.f32 v11, v12;
	_ =	sdelay $0x1  }
0xc9: {  	v12 =	vmul.f32 v18, v18;
	v11 =	vmul.f32 v11, v11;
	v13 =	vsub.f32 v13, v20  }
0xca: {  	v8 =	vmul.f32 v8, v19  }
0xcb: {  	v11 =	vadd.f32 v11, v12;
	v13 =	vmul.f32 v13, v13  }
0xcc: {  	v14 =	vadd.f32 v14, v17;
	v6 =	vmul.f32 v16, v6;
	v16 =	vmul.f32 v8, v5  }
0xcd: {  	v2 =	vmul.f32 v15, v2;
	v11 =	vadd.f32 v13, v11  }
0xce: {  	v4 =	vmul.f32 v6, v4;
	v12 =	vmax.f32 v14, $1.000000000e-30;
	v15 =	vmul.f32 v16, v8  }
0xcf: {  	v13 =	vshra.s32 v12, $0x1;
	v12 =	vmul.f32 $5.000000000e-01, v12;
	v16 =	vmax.f32 v11, $1.000000000e-30  }
0xd0: {  	v13 =	vsub.s32 $0x5F3759DF, v13;
	v17 =	vshra.s32 v16, $0x1;
	v16 =	vmul.f32 $5.000000000e-01, v16  }
0xd1: {  	v15 =	vsub.f32 $1.500000000e+00, v15;
	v18 =	vmul.f32 v13, v12;
	v17 =	vsub.s32 $0x5F3759DF, v17  }
0xd2: {  	v2 =	vsub.f32 v2, v9;
	v4 =	vmul.f32 v4, v6;
	v9 =	vmul.f32 v17, v16  }
0xd3: {  	v8 =	vmul.f32 v15, v8;
	v18 =	vmul.f32 v13, v18  }
0xd4: {  	v10 =	vmul.f32 v2, v10;
	v9 =	vmul.f32 v17, v9  }
0xd5: {  	v5 =	vmul.f32 v8, v5;
	v18 =	vsub.f32 $1.500000000e+00, v18  }
0xd6: {  	v4 =	vsub.f32 $1.500000000e+00, v4;
	v2 =	vmul.f32 v10, v2;
	v15 =	vld [tilespmem:s5+$0x4000];
	[tilespmem:s31+$0x2000] =	vst v7;
	v7 =	vsub.f32 $1.500000000e+00, v9  }
0xd7: {  	v5 =	vmul.f32 v5, v8;
	v10 =	vmul.f32 v13, v18;
	v9 =	vld [tilespmem:s5+$0x3000]  }
0xd8: {  	v4 =	vmul.f32 v4, v6;
	[tilespmem:s17+$0xB000] =	vst v2;
	v2 =	vmul.f32 v17, v7  }
0xd9: {  	v5 =	vsub.f32 $1.500000000e+00, v5;
	v6 =	vld [tilespmem:s12+$0x4000];
	v7 =	vmul.f32 v10, v12  }
0xda: {  	v1 =	vmul.f32 v4, v1;
	v4 =	vld [tilespmem:s12+$0x3000];
	v13 =	vmul.f32 v2, v16  }
0xdb: {  	v5 =	vmul.f32 v5, v8;
	v7 =	vmul.f32 v7, v10  }
0xdc: {  	v8 =	vmul.f32 $5.000000000e-01, v15;
	v1 =	vsub.f32 v1, v9;
	v9 =	vmul.f32 v13, v2  }
0xdd: {  	v3 =	vmul.f32 v5, v3;
	v7 =	vsub.f32 $1.500000000e+00, v7  }
0xde: {  	v5 =	vmul.f32 v1, v8;
	v8 =	vsub.f32 $1.500000000e+00, v9  }
0xdf: {  	v6 =	vmul.f32 $5.000000000e-01, v6;
	v3 =	vsub.f32 v3, v4;
	v7 =	vmul.f32 v7, v10  }
0xe0: {  	v1 =	vmul.f32 v5, v1;
	v2 =	vmul.f32 v8, v2  }
0xe1: {  	v5 =	vmul.f32 v3, v6;
	v4 =	vmul.f32 v7, v12  }
0xe2: {  	[tilespmem:s5+$0xB000] =	vst v1;
	v1 =	vmul.f32 v2, v16  }
0xe3: {  	v3 =	vmul.f32 v5, v3;
	v4 =	vmul.f32 v4, v7  }
0xe4: {  	v6 =	vld [tilespmem:s18+$0x4000];
	v1 =	vmul.f32 v1, v2  }
0xe5: {  	v5 =	vld [tilespmem:s18+$0x3000];
	[tilespmem:s12+$0xB000] =	vst v3;
	v4 =	vsub.f32 $1.500000000e+00, v4  }
0xe6: {  	v3 =	vld [tilespmem:s31+$0x4000];
	v1 =	vsub.f32 $1.500000000e+00, v1  }
0xe7: {  	v4 =	vmul.f32 v4, v7;
	v7 =	vld [tilespmem:s31+$0x3000]  }
0xe8: {  	v1 =	vmul.f32 v1, v2  }
0xe9: {  	v2 =	vmul.f32 v4, v14  }
0xea: {  	v1 =	vmul.f32 v1, v11  }
0xeb: {  	v4 =	vmul.f32 $5.000000000e-01, v6;
	v2 =	vsub.f32 v2, v5  }
0xec: {  	v3 =	vmul.f32 $5.000000000e-01, v3;
	v1 =	vsub.f32 v1, v7  }
0xed: {  	v4 =	vmul.f32 v2, v4  }
0xee: {  	p0 =	seq.s32 s11, $0x18;
	v3 =	vmul.f32 v1, v3  }
0xef: {  	s5 =	smul.u32 @!p0 $0xFA0, s11;
	v2 =	vmul.f32 v4, v2  }
0xf0: {  	v1 =	vmul.f32 v3, v1  }
0xf1: {  	s12 =	sadd.s32 @!p0 s5, s24;
	[tilespmem:s18+$0xB000] =	vst v2  }
0xf2: {  	s12 =	sshrl.u32 @!p0 s12, $0x3;
	[tilespmem:s31+$0xB000] =	vst v1  }
0xf3: {  	[spmem:s3] =	stream.indirect.scatter.add.f32 [tilespmem:s26], [sflag:$0x3], $0x1, s23, s8, $0xb8;
	[tilespmem:$0x13A80] =	vst v63  }
0xf4: {  	s17 =	sadd.s32 @!p0 s9, s12;
	s18 =	simm.s32 @!p0 $0x0  }
0xf5: {  	[tilespmem:s18], [sflag:$0x1] =	stream.linear.gather @!p0 [hbm4b:s17+s18], $0x7D0, $0x38;
	[tilespmem:$0x13A80] =	vst v63  }
0xf6: {  	s19 =	simm.s32 @!p0 $0x1000;
	s17 =	sadd.s32 @!p0 s10, s12  }
0xf7: {  	[tilespmem:s19], [sflag:$0x1] =	stream.linear.gather @!p0 [hbm4b:s17+s18], $0x7D0, $0x38;
	[tilespmem:$0x13A80] =	vst v63  }
0xf8: {  	s20 =	simm.s32 @!p0 $0x3000;
	s17 =	sadd.s32 @!p0 s1, s12  }
0xf9: {  	[tilespmem:s20], [sflag:$0x1] =	stream.linear.gather @!p0 [hbm4b:s17+s18], $0x7D0, $0x38;
	[tilespmem:$0x13A80] =	vst v63  }
0xfa: {  	s12 =	sadd.s32 @!p0 s2, s12;
	s17 =	simm.s32 @!p0 $0x4000  }
0xfb: {  	[tilespmem:s17], [sflag:$0x1] =	stream.linear.gather @!p0 [hbm4b:s12+s18], $0x7D0, $0x38;
	[tilespmem:$0x13A80] =	vst v63  }
0xfc: {  	_ =	swait.ge [sflag:s15], $0x7D0  }
0xfd: {  	[sflag:s15] =	ssyncset.done $0x0  }
0xfe: {  	[sflag:s15] =	ssyncadd.s32 $0xFFFFF830  }
0xff: {  	_ =	swait.ge [sflag:s15], $0x7D0  }
0x100: {  	[sflag:s15] =	ssyncset.done $0x0  }
0x101: {  	[sflag:s15] =	ssyncadd.s32 $0xFFFFF830  }
0x102: {  	_ =	swait.ge [sflag:s15], $0x7D0  }
0x103: {  	[sflag:s15] =	ssyncset.done $0x0  }
0x104: {  	[sflag:s15] =	ssyncadd.s32 $0xFFFFF830  }
0x105: {  	_ =	swait.ge [sflag:s15], $0x7D0  }
0x106: {  	[sflag:s15] =	ssyncset.done $0x0  }
0x107: {  	[sflag:s15] =	ssyncadd.s32 $0xFFFFF830  }
0x108: {  	_ =	swait.ge [sflag:s15], $0x7D0  }
0x109: {  	[sflag:s15] =	ssyncset.done $0x0  }
0x10a: {  	[sflag:s15] =	ssyncadd.s32 $0xFFFFF830  }
0x10b: {  	_ =	swait.ge [sflag:s15], $0x7D0  }
0x10c: {  	[sflag:s15] =	ssyncset.done $0x0  }
0x10d: {  	s12 =	simm.s32 @!p0 $0x1;
	[sflag:s15] =	ssyncadd.s32 $0xFFFFF830  }
0x10e: {  	_ =	swait.ge @!p0 [sflag:s12], $0x7D0  }
0x10f: {  	[sflag:s12] =	ssyncset.done @!p0 $0x0  }
0x110: {  	[sflag:s12] =	ssyncadd.s32 @!p0 $0xFFFFF830  }
0x111: {  	_ =	swait.ge @!p0 [sflag:s12], $0x7D0  }
0x112: {  	[sflag:s12] =	ssyncset.done @!p0 $0x0  }
0x113: {  	[sflag:s12] =	ssyncadd.s32 @!p0 $0xFFFFF830  }
0x114: {  	_ =	swait.ge @!p0 [sflag:s12], $0x7D0  }
0x115: {  	[sflag:s12] =	ssyncset.done @!p0 $0x0  }
0x116: {  	[sflag:s12] =	ssyncadd.s32 @!p0 $0xFFFFF830  }
0x117: {  	_ =	swait.ge @!p0 [sflag:s12], $0x7D0  }
0x118: {  	[sflag:s12] =	ssyncset.done @!p0 $0x0  }
0x119: {  	s17 =	simm.s32 @!p0 $0x5000;
	[sflag:s12] =	ssyncadd.s32 @!p0 $0xFFFFF830;
	s12 =	simm.s32 @!p0 $0x7D0  }
0x11a: {  	[tilespmem:s17], [sflag:$0x2] =	stream.indirect.gather @!p0 [spmem:s4], $0x1, s18, s12, $0xb8;
	[tilespmem:$0x13A80] =	vst v63  }
0x11b: {  	s17 =	simm.s32 @!p0 $0x6000  }
0x11c: {  	[tilespmem:s17], [sflag:$0x2] =	stream.indirect.gather @!p0 [spmem:s6], $0x1, s18, s12, $0xb8;
	[tilespmem:$0x13A80] =	vst v63  }
0x11d: {  	s17 =	simm.s32 @!p0 $0x7000  }
0x11e: {  	[tilespmem:s17], [sflag:$0x2] =	stream.indirect.gather @!p0 [spmem:s7], $0x1, s18, s12, $0xb8;
	[tilespmem:$0x13A80] =	vst v63  }
0x11f: {  	s17 =	simm.s32 @!p0 $0x8000  }
0x120: {  	[tilespmem:s17], [sflag:$0x2] =	stream.indirect.gather @!p0 [spmem:s4], $0x1, s19, s12, $0xb8;
	[tilespmem:$0x13A80] =	vst v63  }
0x121: {  	p1 =	seq.s32 @!p0 s11, $0x0;
	s17 =	simm.s32 @!p0 $0x9000  }
0x122: {  	[tilespmem:s17], [sflag:$0x2] =	stream.indirect.gather @!p0 [spmem:s6], $0x1, s19, s12, $0xb8;
	[tilespmem:$0x13A80] =	vst v63  }
0x123: {  	p1 =	por p0, !p1;
	s17 =	simm.s32 @!p0 $0xA000  }
0x124: {  	[tilespmem:s17], [sflag:$0x2] =	stream.indirect.gather @!p0 [spmem:s7], $0x1, s19, s12, $0xb8;
	[tilespmem:$0x13A80] =	vst v63  }
0x125: {  	_ =	swait.ge @p1 [sflag:s30], $0x7D0  }
0x126: {  	[sflag:s30] =	ssyncset.done @p1 $0x0  }
0x127: {  	s17 =	simm.s32 $0x0;
	[sflag:s30] =	ssyncadd.s32 @p1 $0xFFFFF830  }
0x128: {  	v1 =	vld [tilespmem:s17+$0x5800]  }
0x129: {  	v2 =	vld [tilespmem:s17+$0x8800]  }
0x12a: {  	v3 =	vld [tilespmem:s17+$0x6800]  }
0x12b: {  	v4 =	vld [tilespmem:s17+$0x9800]  }
0x12c: {  	v5 =	vld [tilespmem:s17+$0x800]  }
0x12d: {  	v6 =	vld [tilespmem:s17+$0x7800]  }
0x12e: {  	v7 =	vld [tilespmem:s17+$0xA800];
	_ =	sdelay $0x2  }
0x12f: {  	s31 =	simm.s32 $0x10;
	v1 =	vsub.f32 v1, v2;
	v2 =	vsub.f32 v3, v4  }
0x130: {  	v3 =	vld [tilespmem:s31+$0x5800];
	[tilespmem:s17+$0x2800] =	vst v5  }
0x131: {  	v5 =	vsub.f32 v6, v7;
	v4 =	vld [tilespmem:s31+$0x8800];
	v1 =	vmul.f32 v1, v1;
	v2 =	vmul.f32 v2, v2  }
0x132: {  	v6 =	vld [tilespmem:s31+$0x6800]  }
0x133: {  	v7 =	vld [tilespmem:s31+$0x800];
	v5 =	vmul.f32 v5, v5;
	v1 =	vadd.f32 v2, v1  }
0x134: {  	v8 =	vld [tilespmem:s31+$0x9800]  }
0x135: {  	v9 =	vld [tilespmem:s31+$0x7800];
	v2 =	vadd.f32 v5, v1  }
0x136: {  	v1 =	vld [tilespmem:s31+$0xA800]  }
0x137: {  	s12 =	simm.s32 $0x20;
	v5 =	vmax.f32 v2, $1.000000000e-30  }
0x138: {  	v10 =	vld [tilespmem:s12+$0x5800];
	[tilespmem:s31+$0x2800] =	vst v7;
	v7 =	vshra.s32 v5, $0x1;
	v5 =	vmul.f32 $5.000000000e-01, v5  }
0x139: {  	v3 =	vsub.f32 v3, v4;
	v4 =	vsub.f32 v6, v8;
	v6 =	vld [tilespmem:s12+$0x8800];
	v7 =	vsub.s32 $0x5F3759DF, v7  }
0x13a: {  	v8 =	vld [tilespmem:s12+$0x6800];
	v11 =	vmul.f32 v7, v5  }
0x13b: {  	v12 =	vld [tilespmem:s12+$0x800];
	v3 =	vmul.f32 v3, v3;
	v4 =	vmul.f32 v4, v4;
	v1 =	vsub.f32 v9, v1  }
0x13c: {  	v9 =	vld [tilespmem:s12+$0x9800];
	v11 =	vmul.f32 v7, v11  }
0x13d: {  	v3 =	vadd.f32 v4, v3;
	v1 =	vmul.f32 v1, v1  }
0x13e: {  	v13 =	vld [tilespmem:s12+$0x7800];
	v4 =	vsub.f32 $1.500000000e+00, v11  }
0x13f: {  	v11 =	vld [tilespmem:s12+$0xA800];
	v1 =	vadd.f32 v1, v3  }
0x140: {  	s18 =	simm.s32 $0x30;
	v7 =	vmul.f32 v7, v4  }
0x141: {  	v6 =	vsub.f32 v10, v6;
	v3 =	vsub.f32 v8, v9;
	v8 =	vld [tilespmem:s18+$0x5800];
	[tilespmem:s12+$0x2800] =	vst v12;
	v4 =	vmax.f32 v1, $1.000000000e-30  }
0x142: {  	v12 =	vld [tilespmem:s18+$0x8800];
	v9 =	vshra.s32 v4, $0x1;
	v4 =	vmul.f32 $5.000000000e-01, v4;
	v10 =	vmul.f32 v7, v5  }
0x143: {  	v6 =	vmul.f32 v6, v6;
	v15 =	vld [tilespmem:s18+$0x9800];
	v3 =	vmul.f32 v3, v3;
	v9 =	vsub.s32 $0x5F3759DF, v9  }
0x144: {  	v11 =	vsub.f32 v13, v11;
	v13 =	vld [tilespmem:s18+$0x6800];
	v14 =	vmul.f32 v9, v4;
	v10 =	vmul.f32 v10, v7  }
0x145: {  	v3 =	vadd.f32 v3, v6  }
0x146: {  	v16 =	vld [tilespmem:s18+$0x800];
	v11 =	vmul.f32 v11, v11;
	v14 =	vmul.f32 v9, v14;
	v6 =	vsub.f32 $1.500000000e+00, v10  }
0x147: {  	v17 =	vld [tilespmem:s18+$0xA800]  }
0x148: {  	v10 =	vld [tilespmem:s18+$0x7800];
	v14 =	vsub.f32 $1.500000000e+00, v14;
	v3 =	vadd.f32 v11, v3;
	v18 =	vmul.f32 v6, v7  }
0x149: {  	v7 =	vsub.f32 v8, v12;
	v12 =	vsub.f32 v13, v15  }
0x14a: {  	s19 =	simm.s32 $0x40;
	v20 =	vld [tilespmem:s17+$0x4800];
	v6 =	vmul.f32 v9, v14;
	v8 =	vmax.f32 v3, $1.000000000e-30;
	v9 =	vmul.f32 v18, v5  }
0x14b: {  	v19 =	vld [tilespmem:s19+$0x5800];
	[tilespmem:s18+$0x2800] =	vst v16;
	v11 =	vshra.s32 v8, $0x1;
	v5 =	vmul.f32 $5.000000000e-01, v8;
	v15 =	vmul.f32 v7, v7  }
0x14c: {  	v21 =	vld [tilespmem:s19+$0x8800];
	v13 =	vmul.f32 v6, v4;
	v8 =	vsub.s32 $0x5F3759DF, v11;
	v9 =	vmul.f32 v9, v18  }
0x14d: {  	v16 =	vmul.f32 v12, v12;
	v12 =	vld [tilespmem:s19+$0x9800];
	v7 =	vsub.f32 v10, v17;
	v10 =	vmul.f32 v8, v5  }
0x14e: {  	v11 =	vld [tilespmem:s19+$0x6800];
	v13 =	vmul.f32 v13, v6;
	v22 =	vsub.f32 $1.500000000e+00, v9  }
0x14f: {  	v17 =	vadd.f32 v16, v15;
	v10 =	vmul.f32 v8, v10;
	v9 =	vld [tilespmem:s17+$0x3800]  }
0x150: {  	v14 =	vmul.f32 v7, v7;
	v7 =	vld [tilespmem:s19+$0x800];
	v16 =	vsub.f32 $1.500000000e+00, v13;
	v15 =	vmul.f32 v22, v18  }
0x151: {  	s11 =	sadd.s32 $0x1, s11;
	s20 =	simm.s32 $0x140;
	v13 =	vld [tilespmem:s19+$0x7800];
	v18 =	vsub.f32 v19, v21;
	v19 =	vsub.f32 $1.500000000e+00, v10;
	v10 =	vmul.f32 $5.000000000e-01, v20  }
.LBB2_7:
0x152: {  	p1 =	sne.s32 s20, $0x1F00;
	v20 =	vld [tilespmem:s19+$0xA800];
	v14 =	vadd.f32 v14, v17;
	v21 =	vmul.f32 v16, v6;
	v15 =	vmul.f32 v15, v2;
	v2 =	vmovc v1  }
0x153: {  	v1 =	vmovc v3;
	v12 =	vsub.f32 v11, v12;
	v16 =	vmul.f32 v18, v18;
	v6 =	vmul.f32 v8, v19  }
0x154: {  	s21 =	sshra.s32 s20, $0x2;
	v8 =	vmax.f32 v14, $1.000000000e-30;
	v11 =	vmul.f32 v21, v4;
	v22 =	vld [tilespmem:s31+$0x4800];
	v9 =	vsub.f32 v15, v9;
	v3 =	vmovc v14;
	v4 =	vmovc v5  }
0x155: {  	v18 =	vld [tilespmem:s21+$0x5800];
	[tilespmem:s19+$0x2800] =	vst v7;
	v7 =	vshra.s32 v8, $0x1;
	v5 =	vmul.f32 $5.000000000e-01, v8;
	v14 =	vmul.f32 v6, v4  }
0x156: {  	v19 =	vld [tilespmem:s21+$0x8800];
	v8 =	vsub.s32 $0x5F3759DF, v7;
	v7 =	vmul.f32 v11, v21;
	v10 =	vmul.f32 v9, v10  }
.Ltmp2:
0x157: {  	v15 =	vmul.f32 v12, v12;
	v11 =	vld [tilespmem:s21+$0x6800];
	v13 =	vsub.f32 v13, v20;
	v17 =	vmul.f32 v8, v5;
	(pc) =	sbr.rel @p1 .LBB2_7-.Ltmp2, $4  }
0x158: {  	v20 =	vmul.f32 v14, v6;
	v12 =	vld [tilespmem:s21+$0x9800];
	v23 =	vsub.f32 $1.500000000e+00, v7;
	v10 =	vmul.f32 v10, v9  }
0x159: {  	v14 =	vmul.f32 v13, v13;
	v24 =	vmul.f32 v8, v17;
	v9 =	vld [tilespmem:s31+$0x3800]  }
0x15a: {  	v17 =	vadd.f32 v15, v16;
	v16 =	vsub.f32 $1.500000000e+00, v20;
	v7 =	vld [tilespmem:s21+$0x800];
	v15 =	vmul.f32 v23, v21;
	[tilespmem:s17+$0xB800] =	vst v10;
	s17 =	smov.u32 s31;
	s31 =	smov.u32 s12;
	s12 =	smov.u32 s18  }
0x15b: {  	s20 =	sadd.s32 $0x40, s20;
	v10 =	vmul.f32 $5.000000000e-01, v22;
	s18 =	smov.u32 s19;
	s19 =	smov.u32 s21;
	v18 =	vsub.f32 v18, v19;
	v13 =	vld [tilespmem:s21+$0x7800];
	v19 =	vsub.f32 $1.500000000e+00, v24  }
0x15c: {  	v20 =	vld [tilespmem:s19+$0xA800];
	_ =	sdelay $0x2  }
0x15d: {  	v11 =	vsub.f32 v11, v12;
	_ =	sdelay $0x1  }
0x15e: {  	v36 =	vmul.f32 v18, v18;
	v11 =	vmul.f32 v11, v11;
	v13 =	vsub.f32 v13, v20  }
0x15f: {  	v14 =	vadd.f32 v14, v17  }
0x160: {  	v8 =	vmul.f32 v8, v19;
	v11 =	vadd.f32 v11, v36;
	v13 =	vmul.f32 v13, v13  }
0x161: {  	v6 =	vmul.f32 v16, v6  }
0x162: {  	v37 =	vmax.f32 v14, $1.000000000e-30;
	v38 =	vmul.f32 v8, v5;
	v11 =	vadd.f32 v13, v11  }
0x163: {  	v2 =	vmul.f32 v15, v2;
	v4 =	vmul.f32 v6, v4;
	v39 =	vshra.s32 v37, $0x1  }
0x164: {  	v12 =	vmul.f32 $5.000000000e-01, v37;
	v40 =	vmul.f32 v38, v8;
	v41 =	vmax.f32 v11, $1.000000000e-30  }
0x165: {  	v13 =	vsub.s32 $0x5F3759DF, v39;
	v42 =	vshra.s32 v41, $0x1;
	v16 =	vmul.f32 $5.000000000e-01, v41  }
0x166: {  	v15 =	vsub.f32 $1.500000000e+00, v40;
	v43 =	vmul.f32 v13, v12;
	v17 =	vsub.s32 $0x5F3759DF, v42  }
0x167: {  	v2 =	vsub.f32 v2, v9;
	v4 =	vmul.f32 v4, v6;
	v44 =	vmul.f32 v17, v16  }
0x168: {  	v8 =	vmul.f32 v15, v8;
	v18 =	vmul.f32 v13, v43  }
0x169: {  	v10 =	vmul.f32 v2, v10;
	v9 =	vmul.f32 v17, v44  }
0x16a: {  	v46 =	vmul.f32 v8, v5;
	v18 =	vsub.f32 $1.500000000e+00, v18  }
0x16b: {  	v45 =	vld [tilespmem:s31+$0x4800];
	[tilespmem:s19+$0x2800] =	vst v7;
	v4 =	vsub.f32 $1.500000000e+00, v4;
	v2 =	vmul.f32 v10, v2;
	v47 =	vsub.f32 $1.500000000e+00, v9  }
0x16c: {  	v48 =	vld [tilespmem:s31+$0x3800];
	v5 =	vmul.f32 v46, v8;
	v49 =	vmul.f32 v13, v18  }
0x16d: {  	v4 =	vmul.f32 v4, v6;
	[tilespmem:s17+$0xB800] =	vst v2;
	v2 =	vmul.f32 v17, v47  }
0x16e: {  	v50 =	vld [tilespmem:s12+$0x4800];
	v5 =	vsub.f32 $1.500000000e+00, v5;
	v51 =	vmul.f32 v49, v12  }
0x16f: {  	v52 =	vld [tilespmem:s12+$0x3800];
	v1 =	vmul.f32 v4, v1;
	v53 =	vmul.f32 v2, v16  }
0x170: {  	v5 =	vmul.f32 v5, v8;
	v7 =	vmul.f32 v51, v49  }
0x171: {  	v54 =	vmul.f32 $5.000000000e-01, v45;
	v1 =	vsub.f32 v1, v48;
	v55 =	vmul.f32 v53, v2  }
0x172: {  	v3 =	vmul.f32 v5, v3;
	v7 =	vsub.f32 $1.500000000e+00, v7  }
0x173: {  	v56 =	vmul.f32 v1, v54;
	v57 =	vsub.f32 $1.500000000e+00, v55  }
0x174: {  	v6 =	vmul.f32 $5.000000000e-01, v50;
	v3 =	vsub.f32 v3, v52;
	v7 =	vmul.f32 v7, v49  }
0x175: {  	v1 =	vmul.f32 v56, v1;
	v2 =	vmul.f32 v57, v2  }
0x176: {  	v59 =	vmul.f32 v3, v6;
	v58 =	vmul.f32 v7, v12  }
0x177: {  	[tilespmem:s31+$0xB800] =	vst v1;
	v1 =	vmul.f32 v2, v16  }
0x178: {  	v3 =	vmul.f32 v59, v3;
	v4 =	vmul.f32 v58, v7  }
0x179: {  	v60 =	vld [tilespmem:s18+$0x4800];
	v1 =	vmul.f32 v1, v2  }
0x17a: {  	v61 =	vld [tilespmem:s18+$0x3800];
	[tilespmem:s12+$0xB800] =	vst v3;
	v4 =	vsub.f32 $1.500000000e+00, v4  }
0x17b: {  	v3 =	vld [tilespmem:s19+$0x4800];
	v1 =	vsub.f32 $1.500000000e+00, v1  }
0x17c: {  	v62 =	vld [tilespmem:s19+$0x3800];
	v4 =	vmul.f32 v4, v7  }
0x17d: {  	v1 =	vmul.f32 v1, v2  }
0x17e: {  	v2 =	vmul.f32 v4, v14  }
0x17f: {  	v1 =	vmul.f32 v1, v11  }
0x180: {  	v63 =	vmul.f32 $5.000000000e-01, v60;
	v2 =	vsub.f32 v2, v61  }
0x181: {  	v3 =	vmul.f32 $5.000000000e-01, v3;
	v1 =	vsub.f32 v1, v62  }
0x182: {  	v4 =	vmul.f32 v2, v63  }
0x183: {  	v3 =	vmul.f32 v1, v3  }
0x184: {  	v2 =	vmul.f32 v4, v2  }
0x185: {  	v1 =	vmul.f32 v3, v1  }
0x186: {  	s5 =	sadd.s32 @!p0 s5, s25;
	[tilespmem:s18+$0xB800] =	vst v2  }
0x187: {  	s5 =	sshrl.u32 @!p0 s5, $0x3;
	[tilespmem:s19+$0xB800] =	vst v1  }
0x188: {  	[spmem:s3] =	stream.indirect.scatter.add.f32 [tilespmem:s29], [sflag:$0x3], $0x1, s28, s8, $0xb8;
	[tilespmem:$0x13A80] =	vst v63  }
0x189: {  	s17 =	simm.s32 @!p0 $0x0;
	s12 =	sadd.s32 @!p0 s9, s5;
	s18 =	simm.s32 @!p0 $0x800  }
0x18a: {  	[tilespmem:s18], [sflag:$0x1] =	stream.linear.gather @!p0 [hbm4b:s12+s17], $0x7D0, $0x38;
	[tilespmem:$0x13A80] =	vst v63  }
0x18b: {  	s12 =	sadd.s32 @!p0 s10, s5;
	s18 =	simm.s32 @!p0 $0x1800  }
0x18c: {  	[tilespmem:s18], [sflag:$0x1] =	stream.linear.gather @!p0 [hbm4b:s12+s17], $0x7D0, $0x38;
	[tilespmem:$0x13A80] =	vst v63  }
0x18d: {  	s12 =	sadd.s32 @!p0 s1, s5;
	s18 =	simm.s32 @!p0 $0x3800  }
0x18e: {  	[tilespmem:s18], [sflag:$0x1] =	stream.linear.gather @!p0 [hbm4b:s12+s17], $0x7D0, $0x38;
	[tilespmem:$0x13A80] =	vst v63  }
0x18f: {  	p1 =	sne.s32 @!p0 s11, $0x19;
	s5 =	sadd.s32 @!p0 s2, s5;
	s12 =	simm.s32 @!p0 $0x4800  }
0x190: {  	[tilespmem:s12], [sflag:$0x1] =	stream.linear.gather @!p0 [hbm4b:s5+s17], $0x7D0, $0x38;
	[tilespmem:$0x13A80] =	vst v63  }
0x191: {  	p0 =	por p0, !p1  }
.Ltmp3:
0x192: {  	_ = 	snop;
	(pc) =	sbr.rel @!p0 .LBB2_4-.Ltmp3, $1  }
0x193: {  	_ =	sdelay $0x3  }
0x194: {  	_ =	swait.ge [sflag:s30], $0x7D0  }
0x195: {  	[sflag:s30] =	ssyncset.done $0x0  }
0x196: {  	[sflag:s30] =	ssyncadd.s32 $0xFFFFF830  }
0x197: {  	_ =	swait.ge [sflag:s30], $0x7D0  }
0x198: {  	[sflag:s30] =	ssyncset.done $0x0  }
0x199: {  	[sflag:s30] =	ssyncadd.s32 $0xFFFFF830  }
0x19a: {  	[bflag:$0x0] =	sbarrier.arrive $0xFFFF  }
0x19b: {  	s12 =	simm.s32 $0xC000;
	s17 =	rddreg [dreg:$0x8]  }
0x19c: {  	[tilespmem:s12], [sflag:$0x4] =	stream.linear.gather [spmem:s17], $0x1880, $0x38;
	[tilespmem:$0x13A80] =	vst v63  }
0x19d: {  	_ =	swait.ge [sflag:s0], $0x1880  }
0x19e: {  	[sflag:s0] =	ssyncset.done $0x0  }
0x19f: {  	s5 =	simm.s32 $0x0;
	s11 =	rddreg [dreg:$0x15];
	[sflag:s0] =	ssyncadd.s32 $0xFFFFE780  }
0x1a0: {  	[hbm4b:s11+s5] =	stream.linear.scatter [tilespmem:s12], [sflag:$0x4], $0x1880, $0x38;
	[tilespmem:$0x13A80] =	vst v63  }
0x1a1: {  	_ =	swait.ge [sflag:s0], $0x1880  }
0x1a2: {  	s21 =	rddreg [dreg:$0x19]  }
0x1a3: {  	s31 =	rddreg [dreg:$0x16];
	s11 =	sadd.s32 $0x1, s21  }
0x1a4: {  	p0 =	sne.s32 s11, s31  }
.Ltmp4:
0x1a5: {  	_ = 	snop;
	(pc) =	sbr.rel @p0 .LBB2_1-.Ltmp4, $3  }
0x1a6: {  	_ =	sdelay $0x1  }
0x1a7: {  	[sflag:s0] =	ssyncset.done $0x0  }
0x1a8: {  	[sflag:s0] =	ssyncadd.s32 $0xFFFFE780  }
0x1a9: {  	_ =	sfence.sel $0x180000  }
0x1aa: {  	[bflag:$0x0] =	sbarrier.arrive $0xFFFF  }
0x1ab: {  	_ =	strace $0x90000047  }
0x1ac: {  	s0 =	stileid.u32;
	[bflag:$0x2] =	sbarrier.arrive $0xFFFF  }
0x1ad: {  	p0 =	sne.s32 s0, $0x0;
	s0 =	rddreg [dreg:$0x7]  }
0x1ae: {  	s0 =	sadd.s32 @!p0 $0x100000, s0  }
0x1af: {  	[sflag:s0] =	ssyncadd.tile.s32 @!p0 $0x1;
	_ =	shalt  }
.Lfunc_end2:
_tile_overlayer_lowered:
.L_overlay_start_2:
0x1b0: {  	(tag) =	ssettag $0x2  }
0x1b1: {  	s0 =	rddreg [dreg:$0x0];
	s2 =	stileid.u32  }
0x1b2: {  	s1 =	rddreg [dreg:$0x1];
	p0 =	sne.s32 s2, $0x0  }
0x1b3: {  	s3 =	rddreg [dreg:$0x2];
	[bflag:$0x3] =	sbarrier.arrive $0xFFFF;
	s2 =	simm.s32 @!p0 $0x1C04  }
0x1b4: {  	[timem:s3], [sflag:s2] =	dma.local @!p0 [hbm:s0], s1  }
0x1b5: {  	s0 =	simm.s32 @!p0 $0x4  }
0x1b6: {  	_ =	swait.ge @!p0 [sflag:s0], s1  }
0x1b7: {  	s1 =	ssub.s32 @!p0 $0x0, s1;
	[sflag:s0] =	ssyncset.done @!p0 $0x0  }
0x1b8: {  	[sflag:s0] =	ssyncadd.s32 @!p0 s1  }
0x1b9: {  	[bflag:$0x3] =	sbarrier.arrive $0xFFFF  }
0x1ba: {  	_ =	shalt  }

// kernel: kernel.7.cloned.1.call-start
scs
__scs_entry_jumppad:
0x0: {  	(pc) =	sbr.rel $0x88, $3  }
0x1: {  	(tag) =	ssettag $0x0;
	lr =	simm.s32 $0x1  }
0x2: {  	[smem:$0x3F9D] =	sst lr;
	_ =	strace $0xD0000000  }
0x3: {  	_ = 	snop  }
0x4: {  	_ = 	snop  }
0x5: {  	_ = 	snop  }
0x6: {  	_ = 	snop  }
0x7: {  	_ = 	snop  }
__scs_overlays_trampoline_lowered:
0x8: {  	[smem:$0x3FAC] =	sst s0  }
0x9: {  	[smem:$0x3FAD] =	sst s1  }
0xa: {  	[smem:$0x3FAE] =	sst s2  }
0xb: {  	[smem:$0x3FAF] =	sst s3  }
0xc: {  	[smem:$0x3FB0] =	sst s4  }
0xd: {  	[smem:$0x3FB1] =	sst s5  }
0xe: {  	[smem:$0x3FB2] =	sst s6  }
0xf: {  	[smem:$0x3FB3] =	sst s7  }
0x10: {  	[smem:$0x3FB4] =	sst s8  }
0x11: {  	[smem:$0x3FB5] =	sst s9;
	s0 =	simm.s32 @!p0 $0x0  }
0x12: {  	s1 =	sld [smem:$0x3F9B];
	s0 =	simm.s32 @p0 $0x1  }
0x13: {  	[smem:$0x3FB6] =	sst s0;
	s0 =	simm.s32 @!p1 $0x0  }
0x14: {  	s2 =	sld [smem:$0x3F9A];
	s0 =	simm.s32 @p1 $0x1  }
0x15: {  	[smem:$0x3FB7] =	sst s0;
	s0 =	simm.s32 @!p2 $0x0  }
0x16: {  	s3 =	sld [smem:$0x3FDB];
	s0 =	simm.s32 @p2 $0x1  }
0x17: {  	s4 =	simm.s32 $0x1BF5;
	[smem:$0x3FB9] =	sst s0  }
0x18: {  	s0 =	sld [smem:$0x3F9C];
	_ =	swait.ge [sflag:s4], $0x0  }
0x19: {  	s7 =	sld [smem:$0x3F9D]  }
0x1a: {  	s8 =	sadd.s32 $0xFFFFE003, lr  }
0x1b: {  	s9 =	sadd.s32 $0xFFFFFEF7, lr;
	s5 =	simm.s32 $0xFFFFFFFF;
	p2 =	slt.u32 s8, $0xFFFFF086  }
0x1c: {  	p1 =	slt.u32 s9, $0xF7A;
	s5 =	simm.s32 @!p2 $0x0  }
0x1d: {  	s5 =	simm.s32 @p1 $0x1;
	p0 =	seq.s32 s7, s2  }
0x1e: {  	s7 =	smul.u32 @!p0 $0xF7A, s2;
	p2 =	seq.s32 @!p0 s5, $0x0  }
0x1f: {  	s9 =	smul.u32 $0xF7A, s1;
	s8 =	simm.s32 @!p0 $0x1BF5;
	p2 =	por !p2, p0  }
0x20: {  	[sflag:s8] =	ssyncset.s32 @!p0 $0xFFFFF086;
	s6 =	sadd.s32 @!p0 s3, s7;
	s7 =	simm.s32 @!p0 $0x108  }
0x21: {  	s3 =	sadd.s32 s3, s9;
	s6 =	sadd.s32 @!p0 $0x88, s6;
	s7 =	simm.s32 @p2 $0x1082  }
0x22: {  	[simem:s7], [sflag:s8] =	dma.local @!p0 [hbm:s6], $0xF7A  }
0x23: {  	s9 =	sor.u32 $0xD0000000, s2;
	s6 =	simm.s32 $0x108;
	_ =	swait.ge @!p0 [sflag:s8], $0x0  }
0x24: {  	s3 =	sadd.s32 $0x88, s3;
	s6 =	simm.s32 @!p1 $0x1082;
	[sflag:s4] =	ssyncset.s32 $0xFFFFF086  }
0x25: {  	[simem:s6], [sflag:s4] =	dma.local [hbm:s3], $0xF7A  }
0x26: {  	[smem:$0x3F9D] =	sst s1;
	(tag) =	ssettag s2;
	_ =	strace s9  }
0x27: {  	s1 =	sld [smem:$0x3FAD]  }
0x28: {  	s2 =	sld [smem:$0x3FAE]  }
0x29: {  	s4 =	sld [smem:$0x3FB0]  }
0x2a: {  	p0 =	seq.s32 s5, $0x0;
	s5 =	sld [smem:$0x3FB1]  }
0x2b: {  	s6 =	sld [smem:$0x3FB2]  }
0x2c: {  	s7 =	sld [smem:$0x3FB3]  }
0x2d: {  	s3 =	simm.s32 $0x108;
	s8 =	sld [smem:$0x3FB4]  }
0x2e: {  	s3 =	simm.s32 @!p0 $0x1082;
	s9 =	sld [smem:$0x3FB5]  }
0x2f: {  	lr =	sadd.s32 s0, s3;
	s0 =	sld [smem:$0x3FAC]  }
0x30: {  	s3 =	sld [smem:$0x3FAF]  }
0x31: {  	[smem:$0x3FB8] =	sst s10  }
0x32: {  	s10 =	sld [smem:$0x3FB6];
	_ =	sdelay $0x3  }
0x33: {  	p0 =	seq.s32 s10, $0x1;
	s10 =	sld [smem:$0x3FB8];
	_ =	sdelay $0x3  }
0x34: {  	[smem:$0x3FB8] =	sst s10  }
0x35: {  	s10 =	sld [smem:$0x3FB7];
	_ =	sdelay $0x3  }
0x36: {  	p1 =	seq.s32 s10, $0x1;
	s10 =	sld [smem:$0x3FB8];
	_ =	sdelay $0x3  }
0x37: {  	[smem:$0x3FB8] =	sst s10  }
0x38: {  	s10 =	sld [smem:$0x3FB9]  }
0x39: {  	_ = 	snop;
	(pc) =	sbr.ind lr, $3  }
0x3a: {  	_ = 	snop  }
0x3b: {  	_ = 	snop  }
0x3c: {  	p2 =	seq.s32 s10, $0x1;
	s10 =	sld [smem:$0x3FB8]  }
0x3d: {  	_ =	shalt  }
0x3e: {  	_ =	shalt  }
0x3f: {  	_ =	shalt  }
0x40: {  	_ =	shalt  }
0x41: {  	_ =	shalt  }
0x42: {  	_ =	shalt  }
0x43: {  	_ =	shalt  }
0x44: {  	_ =	shalt  }
0x45: {  	_ =	shalt  }
0x46: {  	_ =	shalt  }
0x47: {  	_ =	shalt  }
0x48: {  	_ =	shalt  }
0x49: {  	_ =	shalt  }
0x4a: {  	_ =	shalt  }
0x4b: {  	_ =	shalt  }
0x4c: {  	_ =	shalt  }
0x4d: {  	_ =	shalt  }
0x4e: {  	_ =	shalt  }
0x4f: {  	_ =	shalt  }
0x50: {  	_ =	shalt  }
0x51: {  	_ =	shalt  }
0x52: {  	_ =	shalt  }
0x53: {  	_ =	shalt  }
0x54: {  	_ =	shalt  }
0x55: {  	_ =	shalt  }
0x56: {  	_ =	shalt  }
0x57: {  	_ =	shalt  }
0x58: {  	_ =	shalt  }
0x59: {  	_ =	shalt  }
0x5a: {  	_ =	shalt  }
0x5b: {  	_ =	shalt  }
0x5c: {  	_ =	shalt  }
0x5d: {  	_ =	shalt  }
0x5e: {  	_ =	shalt  }
0x5f: {  	_ =	shalt  }
0x60: {  	_ =	shalt  }
0x61: {  	_ =	shalt  }
0x62: {  	_ =	shalt  }
0x63: {  	_ =	shalt  }
0x64: {  	_ =	shalt  }
0x65: {  	_ =	shalt  }
0x66: {  	_ =	shalt  }
0x67: {  	_ =	shalt  }
0x68: {  	_ =	shalt  }
0x69: {  	_ =	shalt  }
0x6a: {  	_ =	shalt  }
0x6b: {  	_ =	shalt  }
0x6c: {  	_ =	shalt  }
0x6d: {  	_ =	shalt  }
0x6e: {  	_ =	shalt  }
0x6f: {  	_ =	shalt  }
0x70: {  	_ =	shalt  }
0x71: {  	_ =	shalt  }
0x72: {  	_ =	shalt  }
0x73: {  	_ =	shalt  }
0x74: {  	_ =	shalt  }
0x75: {  	_ =	shalt  }
0x76: {  	_ =	shalt  }
0x77: {  	_ =	shalt  }
0x78: {  	_ =	shalt  }
0x79: {  	_ =	shalt  }
0x7a: {  	_ =	shalt  }
0x7b: {  	_ =	shalt  }
0x7c: {  	_ =	shalt  }
0x7d: {  	_ =	shalt  }
0x7e: {  	_ =	shalt  }
0x7f: {  	_ =	shalt  }
0x80: {  	_ =	shalt  }
0x81: {  	_ =	shalt  }
0x82: {  	_ =	shalt  }
0x83: {  	_ =	shalt  }
0x84: {  	_ =	shalt  }
0x85: {  	_ =	shalt  }
0x86: {  	_ =	shalt  }
0x87: {  	_ =	shalt  }
.Lfunc_end0:
.L_simem_size_0:
called_computation.1_lowered:
.L_overlay_start_0:
0x88: {  	s2 =	sld [smem:$0x3FD9]  }
0x89: {  	s3 =	sld [smem:$0x3FFE];
	_ =	sdelay $0x1  }
0x8a: {  	s1 =	srdreg.scid  }
0x8b: {  	s0 =	sand.u32 $0x1, s1  }
0x8c: {  	s16 =	sshll.u32 s0, $0xA;
	s2 =	sadd.s32 s3, s2  }
0x8d: {  	s2 =	sadd.s32 s2, s16  }
0x8e: {  	[smem:$0x3FC4] =	sst s2  }
0x8f: {  	_ = 	snop  }
0x90: {  	(tm) =	ssettm $0x1  }
0x91: {  	s17 =	sld [smem:$0x3FFB];
	_ =	sdelay $0x3  }
0x92: {  	_ =	strace s17  }
0x93: {  	s2 =	sld [smem:$0x3FFC];
	_ =	sdelay $0x3  }
0x94: {  	_ =	strace s2  }
0x95: {  	s2 =	sld [smem:$0x3FFD];
	_ =	sdelay $0x3  }
0x96: {  	_ =	strace s2  }
0x97: {  	_ =	strace $0x8FFFFFFF  }
0x98: {  	s18 =	sld [smem:$0x3FDB];
	_ =	sdelay $0x1  }
0x99: {  	s19 =	simm.s32 $_scs_section_size  }
0x9a: {  	s4 =	simm.s32 $_size__tile_overlayer_lowered;
	s5 =	simm.s32 $_tile_overlayer_lowered  }
0x9b: {  	s22 =	simm.s32 $0x1BFF;
	s21 =	sshll.u32 s5, $0x1;
	s2 =	sadd.s32 s19, s18  }
0x9c: {  	s6 =	simm.s32 $0x0;
	s20 =	sshll.u32 s4, $0x1;
	s4 =	sadd.s32 s21, s2  }
0x9d: {  	[timem:s6], [sflag:s22] =	dma.local [hbm:s4], s20  }
0x9e: {  	_ =	swait.ge [sflag:s22], s20  }
0x9f: {  	s3 =	ssub.s32 $0x0, s20;
	[sflag:s22] =	ssyncset.done $0x0  }
0xa0: {  	[sflag:s22] =	ssyncadd.s32 s3;
	_ =	sdelay $0x1  }
0xa1: {  	s23 =	simm.s32 $0x1B8B  }
0xa2: {  	_ =	swait.ge [sflag:s23], $0x1  }
0xa3: {  	[sflag:s23] =	ssyncset.done $0x0  }
0xa4: {  	s25 =	simm.s32 $0x1B8E;
	s24 =	sld [smem:$0x3FFE];
	[sflag:s23] =	ssyncadd.s32 $0xFFFFFFFF  }
0xa5: {  	s26 =	simm.s32 $execute0_lowered;
	[smem:$0x3FD2] =	sst s25  }
0xa6: {  	s4 =	sshll.u32 s26, $0x1;
	_ =	strace $0x80000049;
	[dreg:$0x1] =	wrdreg $0xFFFFFFFF  }
0xa7: {  	s28 =	simm.s32 $_size_execute0_lowered;
	s2 =	sadd.s32 s2, s4;
	[dreg:$0x0] =	wrdreg $0x0  }
0xa8: {  	s4 =	sshll.u32 s28, $0x1;
	[dreg:$0x2] =	wrdreg s2  }
0xa9: {  	[dreg:$0x3] =	wrdreg s4  }
0xaa: {  	[dreg:$0x4] =	wrdreg $0xC0  }
0xab: {  	_ =	task [dreg:s6], $0x5FFFF  }
0xac: {  	[dreg:$0x1] =	wrdreg $0xFFFFFFFF  }
0xad: {  	[dreg:$0x0] =	wrdreg $0x60  }
0xae: {  	[dreg:$0x2] =	wrdreg s24  }
0xaf: {  	[dreg:$0x3] =	wrdreg $0x9  }
0xb0: {  	_ =	task.clear_ibuf [dreg:s6], $0x4FFFF;
	_ =	strace $0x90000049  }
0xb1: {  	s29 =	simm.s32 $0x9;
	_ =	strace $0x8000004B  }
0xb2: {  	_ =	swait.ge [sflag:s29], $0x1  }
0xb3: {  	[sflag:s29] =	ssyncadd.s32 $0xFFFFFFFF  }
0xb4: {  	_ =	strace $0x9000004B  }
0xb5: {  	_ =	sfence  }
0xb6: {  	s30 =	sld [smem:$0x0];
	_ =	sdelay $0x2  }
0xb7: {  	s31 =	sshll.u32 s1, $0xD;
	s1 =	sshrl.u32 s1, $0x2  }
0xb8: {  	s3 =	sand.u32 $0x4000, s31;
	s1 =	sadd.s32 s1, s30  }
0xb9: {  	s0 =	sor.u32 s3, s0;
	s1 =	sshll.u32 s1, $0x11  }
0xba: {  	s0 =	sor.u32 s1, s0  }
0xbb: {  	s0 =	sadd.s32 $0x8F2B, s0  }
0xbc: {  	[sflag:s0] =	ssyncadd.remote.s32 $0x1  }
0xbd: {  	_ =	sfence.sel $0xFFFF  }
0xbe: {  	[dreg:$0x0] =	wrdreg $0xFFFFFFFF;
	(pc) =	sbr.abs _section_cstart, $3  }
0xbf: {  	[dreg:$0x1] =	wrdreg $0xFFFFFFFF  }
0xc0: {  	_ =	task.clear_ibuf [dreg:s6], $0x2FFFF;
	_ =	strace $0x9FFFFFFF  }
0xc1: {  	(tm) =	ssettm $0x7FFFFFFF  }
tec
execute0_lowered:
.L_overlay_start_1:
0x0: {  	(tag) =	ssettag $0x1  }
0x1: {  	s1 =	srdreg.scid;
	s0 =	stileid.u32  }
0x2: {  	s3 =	sand.u32 $0x1, s1;
	s4 =	smul.u32 $0x1880, s0  }
0x3: {  	s5 =	rddreg [dreg:$0x0];
	s2 =	simm.s32 $0x0;
	s6 =	smul.u32 $0xC40, s3  }
0x4: {  	s7 =	simm.s32 $0x1;
	s8 =	simm.s32 $0xC80;
	s9 =	simm.s32 $0x0  }
0x5: {  	s1 =	rddreg [dreg:$0x1];
	s3 =	ssub.s32 $0x2, s3;
	s4 =	sadd.s32 s6, s4  }
0x6: {  	[smem:$0x7FF] =	sst s2;
	s31 =	sshrl.u32 s3, $0x1;
	s4 =	sshrl.u32 s4, $0x3  }
0x7: {  	_ =	strace $0x8000004A;
	s6 =	ssub.s32 s3, s31;
	s3 =	sadd.s32 s5, s4  }
0x8: {  	s6 =	smax.u32 s6, $0x1;
	s4 =	sadd.s32 $0xCCE00, s3;
	s5 =	sadd.s32 $0xCFF00, s3  }
.LBB2_1:
0x9: {  	[tilespmem:s2], [sflag:$0x1] =	stream.linear.gather [hbm4b:s4+s2], $0xC40, $0x38;
	[tilespmem:$0x1900] =	vst v63  }
0xa: {  	_ =	swait.ge [sflag:s7], $0xC40  }
0xb: {  	[sflag:s7] =	ssyncset.done $0x0  }
0xc: {  	[sflag:s7] =	ssyncadd.s32 $0xFFFFF3C0  }
0xd: {  	[tilespmem:s8], [sflag:$0x1] =	stream.linear.gather [hbm4b:s5+s2], $0xC40, $0x38;
	[tilespmem:$0x1900] =	vst v63  }
0xe: {  	_ =	swait.ge [sflag:s7], $0xC40  }
0xf: {  	[sflag:s7] =	ssyncset.done $0x0  }
0x10: {  	s10 =	simm.s32 $0x0;
	[sflag:s7] =	ssyncadd.s32 $0xFFFFF3C0  }
0x11: {  	s11 =	simm.s32 $0x40;
	v0 =	vld [tilespmem:s10+$0xC80]  }
.LBB2_2:
0x12: {  	p0 =	sne.s32 s11, $0x30C0;
	v1 =	vld [tilespmem:s10+$0x0];
	_ =	sdelay $0x2  }
.Ltmp0:
0x13: {  	(pc) =	sbr.rel @p0 .LBB2_2-.Ltmp0, $4  }
0x14: {  	_ = 	snop  }
0x15: {  	v1 =	vadd.f32 v0, v1  }
0x16: {  	s12 =	sshra.s32 s11, $0x2  }
0x17: {  	s11 =	sadd.s32 $0x40, s11;
	v0 =	vld [tilespmem:s12+$0xC80];
	[tilespmem:s10+$0x0] =	vst v1;
	s10 =	smov.u32 s12  }
0x18: {  	v1 =	vld [tilespmem:s10+$0x0];
	_ =	sdelay $0x4  }
0x19: {  	s9 =	sadd.s32 $0x1, s9;
	v0 =	vadd.f32 v0, v1  }
0x1a: {  	p0 =	sne.s32 s9, s6  }
.Ltmp1:
0x1b: {  	[tilespmem:s10+$0x0] =	vst v0;
	(pc) =	sbr.rel @p0 .LBB2_1-.Ltmp1, $4  }
0x1c: {  	[hbm4b:s3+s2] =	stream.linear.scatter [tilespmem:s2], [sflag:$0x1], $0xC40, $0x38;
	[tilespmem:$0x1900] =	vst v63  }
0x1d: {  	_ =	swait.ge [sflag:s7], $0xC40  }
0x1e: {  	[sflag:s7] =	ssyncset.done $0x0  }
0x1f: {  	[sflag:s7] =	ssyncadd.s32 $0xFFFFF3C0  }
0x20: {  	_ =	sfence.sel $0x180000  }
0x21: {  	[bflag:$0x0] =	sbarrier.arrive $0xFFFF  }
0x22: {  	p0 =	sne.s32 s0, $0x0;
	_ =	strace $0x9000004A  }
0x23: {  	s0 =	sadd.s32 @!p0 $0x100000, s1;
	[bflag:$0x2] =	sbarrier.arrive $0xFFFF  }
0x24: {  	[sflag:s0] =	ssyncadd.tile.s32 @!p0 $0x1;
	_ =	shalt  }
.Lfunc_end2:
_tile_overlayer_lowered:
.L_overlay_start_2:
0x25: {  	(tag) =	ssettag $0x2  }
0x26: {  	s0 =	rddreg [dreg:$0x0];
	s2 =	stileid.u32  }
0x27: {  	s1 =	rddreg [dreg:$0x1];
	p0 =	sne.s32 s2, $0x0  }
0x28: {  	s3 =	rddreg [dreg:$0x2];
	[bflag:$0x3] =	sbarrier.arrive $0xFFFF;
	s2 =	simm.s32 @!p0 $0x1C01  }
0x29: {  	[timem:s3], [sflag:s2] =	dma.local @!p0 [hbm:s0], s1  }
0x2a: {  	s0 =	simm.s32 @!p0 $0x1  }
0x2b: {  	_ =	swait.ge @!p0 [sflag:s0], s1  }
0x2c: {  	s1 =	ssub.s32 @!p0 $0x0, s1;
	[sflag:s0] =	ssyncset.done @!p0 $0x0  }
0x2d: {  	[sflag:s0] =	ssyncadd.s32 @!p0 s1  }
0x2e: {  	[bflag:$0x3] =	sbarrier.arrive $0xFFFF  }
0x2f: {  	_ =	shalt  }

</sc_bundles>
